<compile_context>
chip_gen: v7x
topology: tpu7x:2x2x1
jax: 0.10.2.dev20260603
libtpu: 0.0.44.dev20260713+nightly
codegen_flags: <defaults>
</compile_context>

<pallas_src>
import functools

import jax
import jax.numpy as jnp
import numpy as np
from jax import lax
from jax.experimental import pallas as pl
from jax.experimental.pallas import tpu as pltpu
from jax.experimental.pallas import tpu_sc as plsc

B = 4096
E = 64
NC, NS = 2, 16
NW = NC * NS
BPW = B // NW
CHUNK = 128
N_BOOK_CHUNKS = BPW * (50 + 20 + 1) // CHUNK
N_TAG_CHUNKS = BPW * 10 // CHUNK
N_CHUNKS = N_BOOK_CHUNKS + 2 + N_TAG_CHUNKS
SLOT = 4 * BPW

_ar = np.arange(BPW)
_base_tgt = np.concatenate([
    np.repeat(_ar, 50),
    BPW + np.repeat(_ar, 20),
    3 * BPW + _ar,
    3 * BPW + _ar,
    3 * BPW + _ar,
    2 * BPW + np.repeat(_ar, 10),
]).astype(np.int32)
_TGT = (_base_tgt[None, :] + (np.arange(NS, dtype=np.int32) * SLOT)[:, None]
        ).reshape(NS, N_CHUNKS, CHUNK)


COLS = 4096
HALF = COLS // 2


def _repack(table):
    n = table.shape[0]
    grid = (n + COLS - 1) // COLS

    def body(x_ref, o_ref):
        y = x_ref[...].T
        o_ref[:, 0:E] = y[0:HALF]
        o_ref[:, E:2 * E] = y[HALF:COLS]

    out = pl.pallas_call(
        body,
        grid=(grid,),
        in_specs=[pl.BlockSpec((E, COLS), lambda j: (0, j))],
        out_specs=pl.BlockSpec((HALF, 128), lambda j: (j, 0)),
        out_shape=jax.ShapeDtypeStruct((grid * HALF, 128), jnp.float32),
    )(table.T)
    return out.reshape(grid * COLS, E)


def _remap(ids):
    jcol, r = ids // COLS, ids % COLS
    return jcol * COLS + 2 * (r % HALF) + r // HALF


def _sc_gather_pool(book_t, auth_t, lang_t, tag_t, src_idx, tgt_idx, zeros):
    mesh = plsc.VectorSubcoreMesh(core_axis_name="c", subcore_axis_name="s")
    out_t = tuple(jax.ShapeDtypeStruct((B, E), jnp.float32) for _ in range(4))

    @functools.partial(
        pl.kernel,
        mesh=mesh,
        out_type=out_t,
        compiler_params=pltpu.CompilerParams(use_tc_tiling_on_sc=False),
        scratch_types=[
            pltpu.VMEM((N_CHUNKS, CHUNK), jnp.int32),
            pltpu.VMEM((N_CHUNKS, CHUNK), jnp.int32),
            pltpu.VMEM((CHUNK, E), jnp.float32),
            pltpu.VMEM_SHARED((NS * SLOT, E), jnp.float32),
        ],
    )
    def k(book_h, auth_h, lang_h, tag_h, srci_h, tgti_h, zero_h,
          oh_h, ow_h, ot_h, ob_h, srci_v, tgti_v, buf_v, acc_sh):
        c = lax.axis_index("c")
        s = lax.axis_index("s")
        wid = s * NC + c
        pltpu.sync_copy(srci_h.at[wid], srci_v)
        pltpu.sync_copy(tgti_h.at[s], tgti_v)
        pltpu.sync_copy(zero_h, acc_sh.at[pl.ds(s * SLOT, SLOT)])

        def do_chunk(table_h, j):
            pltpu.sync_copy(table_h.at[srci_v.at[j]], buf_v)
            pltpu.sync_copy(buf_v, acc_sh.at[tgti_v.at[j]], add=True)

        @pl.loop(0, N_BOOK_CHUNKS)
        def _(j):
            do_chunk(book_h, j)

        do_chunk(auth_h, N_BOOK_CHUNKS)
        do_chunk(lang_h, N_BOOK_CHUNKS + 1)

        @pl.loop(N_BOOK_CHUNKS + 2, N_CHUNKS)
        def _(j):
            do_chunk(tag_h, j)

        base = s * SLOT
        obase = wid * BPW
        pltpu.sync_copy(acc_sh.at[pl.ds(base, BPW)], oh_h.at[pl.ds(obase, BPW)])
        pltpu.sync_copy(acc_sh.at[pl.ds(base + BPW, BPW)], ow_h.at[pl.ds(obase, BPW)])
        pltpu.sync_copy(acc_sh.at[pl.ds(base + 2 * BPW, BPW)], ot_h.at[pl.ds(obase, BPW)])
        pltpu.sync_copy(acc_sh.at[pl.ds(base + 3 * BPW, BPW)], ob_h.at[pl.ds(obase, BPW)])

    return k(book_t, auth_t, lang_t, tag_t, src_idx, tgt_idx, zeros)


def _tc_combine(hist_s, wish_s, tag_s, bal_s, dense,
                dW0, db0, dW1, db1, dW2, db2, uW0, ub0, uW1, ub1, uW2, ub2):

    def body(hs, ws, ts, bs, dn, w0, b0, w1, b1, w2, b2,
             v0, c0, v1, c1, v2, c2, out):
        def dot_t(x, w_ref):
            return lax.dot_general(
                x, w_ref[...], (((1,), (1,)), ((), ())),
                preferred_element_type=jnp.float32,
                precision=lax.Precision.HIGHEST)

        u = hs[...] * (1.0 / 50.0) + ws[...] * (1.0 / 20.0)
        u = jnp.maximum(dot_t(u, v0) + c0[...], 0.0)
        u = jnp.maximum(dot_t(u, v1) + c1[...], 0.0)
        u = dot_t(u, v2) + c2[...]

        d = jnp.maximum(dot_t(dn[...], w0) + b0[...], 0.0)
        d = jnp.maximum(dot_t(d, w1) + b1[...], 0.0)
        d = dot_t(d, w2) + b2[...]

        i = bs[...] + ts[...] * (1.0 / 10.0) + d
        out[...] = jnp.sum(u * i, axis=1, keepdims=True)

    return pl.pallas_call(
        body,
        out_shape=jax.ShapeDtypeStruct((B, 1), jnp.float32),
    )(hist_s, wish_s, tag_s, bal_s, dense,
      dW0, db0.reshape(1, -1), dW1, db1.reshape(1, -1), dW2, db2.reshape(1, -1),
      uW0, ub0.reshape(1, -1), uW1, ub1.reshape(1, -1), uW2, ub2.reshape(1, -1))


def kernel(hist_ids, wish_ids, bid, auth, lang, tags, dense,
           book_table, auth_table, lang_table, tag_table,
           dW0, db0, dW1, db1, dW2, db2, uW0, ub0, uW1, ub1, uW2, ub2):
    i32 = lambda x: x.astype(jnp.int32)
    src_idx = _remap(jnp.concatenate([
        i32(hist_ids).reshape(NW, BPW * 50),
        i32(wish_ids).reshape(NW, BPW * 20),
        i32(bid).reshape(NW, BPW),
        i32(auth).reshape(NW, BPW),
        i32(lang).reshape(NW, BPW),
        i32(tags).reshape(NW, BPW * 10),
    ], axis=1)).reshape(NW, N_CHUNKS, CHUNK)
    tgt_idx = jnp.asarray(_TGT)
    zeros = jnp.zeros((SLOT, E), jnp.float32)

    book_p = _repack(book_table)
    auth_p = _repack(auth_table)
    lang_p = _repack(lang_table)
    tag_p = _repack(tag_table)

    hist_s, wish_s, tag_s, bal_s = _sc_gather_pool(
        book_p, auth_p, lang_p, tag_p, src_idx, tgt_idx, zeros)

    return _tc_combine(hist_s, wish_s, tag_s, bal_s, dense,
                       dW0, db0, dW1, db1, dW2, db2,
                       uW0, ub0, uW1, ub1, uW2, ub2)

# --- scband reference (transcript-rebuilt; emitter-appended) ---
"""Pipeline reference for scband-two-tower-32744830665480 (READ-ONLY COPY).

The authoritative reference and input builder live on the scoring server;
editing this copy changes nothing except your own understanding.
"""

import jax, jax.numpy as jnp
import numpy as np

def _mlp(x, params):
    n = len(params)
    for i, (W, b) in enumerate(params):
        x = x @ W.T + b
        if i < n - 1:
            x = jax.nn.relu(x)
    return x

def setup_inputs(seed: int = 0):
    key = jax.random.key(seed)
    ks = jax.random.split(key, 32)
    B = 4096; E = 64
    NB, NA, NL, NT = 1000000, 100000, 100, 1000
    inp = {}
    inp['hist_ids'] = jax.random.randint(ks[0], (B, 50), 0, NB + 1)
    inp['wish_ids'] = jax.random.randint(ks[1], (B, 20), 0, NB + 1)
    inp['bid'] = jax.random.randint(ks[2], (B,), 0, NB + 1)
    inp['auth'] = jax.random.randint(ks[3], (B,), 0, NA + 1)
    inp['lang'] = jax.random.randint(ks[4], (B,), 0, NL + 1)
    inp['tags'] = jax.random.randint(ks[5], (B, 10), 0, NT + 1)
    inp['dense'] = jax.random.normal(ks[6], (B, 3), dtype=jnp.float32)
    inp['book_table'] = (jax.random.normal(ks[7], (NB + 1, E), dtype=jnp.float32) * 0.02).at[0].set(0.0)
    inp['auth_table'] = (jax.random.normal(ks[8], (NA + 1, E), dtype=jnp.float32) * 0.02).at[0].set(0.0)
    inp['lang_table'] = (jax.random.normal(ks[9], (NL + 1, E), dtype=jnp.float32) * 0.02).at[0].set(0.0)
    inp['tag_table'] = (jax.random.normal(ks[10], (NT + 1, E), dtype=jnp.float32) * 0.02).at[0].set(0.0)
    def lin(k, o, i):
        s = 1.0 / float(np.sqrt(i))
        k1, k2 = jax.random.split(k)
        return (jax.random.uniform(k1, (o, i), minval=-s, maxval=s, dtype=jnp.float32), jax.random.uniform(k2, (o,), minval=-s, maxval=s, dtype=jnp.float32))
    inp['dW0'], inp['db0'] = lin(ks[11], 128, 3)
    inp['dW1'], inp['db1'] = lin(ks[12], 64, 128)
    inp['dW2'], inp['db2'] = lin(ks[13], E, 64)
    inp['uW0'], inp['ub0'] = lin(ks[14], 128, E)
    inp['uW1'], inp['ub1'] = lin(ks[15], 64, 128)
    inp['uW2'], inp['ub2'] = lin(ks[16], E, 64)
    return inp

def reference(hist_ids, wish_ids, bid, auth, lang, tags, dense, book_table, auth_table, lang_table, tag_table, dW0, db0, dW1, db1, dW2, db2, uW0, ub0, uW1, ub1, uW2, ub2):
    u_h = jnp.take(book_table, hist_ids, axis=0).mean(axis=1)
    u_w = jnp.take(book_table, wish_ids, axis=0).mean(axis=1)
    u_emb = _mlp(u_h + u_w, [(uW0, ub0), (uW1, ub1), (uW2, ub2)])
    b_e = jnp.take(book_table, bid, axis=0)
    a_e = jnp.take(auth_table, auth, axis=0)
    l_e = jnp.take(lang_table, lang, axis=0)
    t_e = jnp.take(tag_table, tags, axis=0).mean(axis=1)
    d_e = _mlp(dense, [(dW0, db0), (dW1, db1), (dW2, db2)])
    i_emb = b_e + a_e + l_e + t_e + d_e
    return (u_emb * i_emb).sum(axis=1, keepdims=True)

if __name__ == "__main__":
    import jax
    _d = setup_inputs()
    print(jax.jit(kernel)(*tuple(_d.values())))

</pallas_src>

<mosaic_0001>
#map = affine_map<(d0, d1) -> (0, 0)>
#map1 = affine_map<(d0, d1) -> (0, 0, 0)>
module attributes {stable_mosaic.version = 14 : i64} {
  func.func @k(%arg0: i32, %arg1: i32, %arg2: memref<1003520x64xf32, #tpu.memory_space<hbm>>, %arg3: memref<102400x64xf32, #tpu.memory_space<hbm>>, %arg4: memref<4096x64xf32, #tpu.memory_space<hbm>>, %arg5: memref<4096x64xf32, #tpu.memory_space<hbm>>, %arg6: memref<32x83x128xi32, #tpu.memory_space<hbm>>, %arg7: memref<16x83x128xi32, #tpu.memory_space<hbm>>, %arg8: memref<512x64xf32, #tpu.memory_space<hbm>>, %arg9: memref<4096x64xf32, #tpu.memory_space<hbm>>, %arg10: memref<4096x64xf32, #tpu.memory_space<hbm>>, %arg11: memref<4096x64xf32, #tpu.memory_space<hbm>>, %arg12: memref<4096x64xf32, #tpu.memory_space<hbm>>, %arg13: memref<83x128xi32, #tpu.memory_space<vmem>>, %arg14: memref<83x128xi32, #tpu.memory_space<vmem>>, %arg15: memref<128x64xf32, #tpu.memory_space<vmem>>, %arg16: memref<8192x64xf32, #tpu.memory_space<vmem_shared>>) attributes {dimension_semantics = [#tpu.dimension_semantics<core_parallel>, #tpu.dimension_semantics<subcore_parallel>], iteration_bounds = array<i64: 2, 16>, scalar_prefetch = 0 : i64, scratch_operands = 4 : i64, tpu.core_type = #tpu.core_type<sc_vector_subcore>, window_params = [{transform_indices = #map}, {transform_indices = #map}, {transform_indices = #map}, {transform_indices = #map}, {transform_indices = #map1}, {transform_indices = #map1}, {transform_indices = #map}, {transform_indices = #map}, {transform_indices = #map}, {transform_indices = #map}, {transform_indices = #map}]} {
    %mul3A = arith.constant 2 : i32
    %mul3A_0 = arith.muli %arg1, %mul3A : i32
    %add3A = arith.addi %mul3A_0, %arg0 : i32
    "tpu.region"() ({
      %run_scoped3A_25 = tpu.sem_alloc : memref<!tpu.dma_semaphore, #tpu.memory_space<semaphore_mem>>
      %dma_start3A = arith.constant 0 : i32
      %dma_start3A_26 = arith.constant 0 : i32
      %dma_start3A_27 = tpu.memref_slice %arg6[%add3A, %dma_start3A, %dma_start3A_26] : memref<32x83x128xi32, #tpu.memory_space<hbm>> -> memref<1x83x128xi32, #tpu.memory_space<hbm>>
      %dma_start3A_28 = tpu.memref_squeeze %dma_start3A_27 : memref<1x83x128xi32, #tpu.memory_space<hbm>> -> memref<83x128xi32, #tpu.memory_space<hbm>>
      %dma_start3A_29 = arith.constant 0 : i32
      %dma_start3A_30 = arith.constant 0 : i32
      %dma_start3A_31 = tpu.memref_slice %arg6[%add3A, %dma_start3A_29, %dma_start3A_30] : memref<32x83x128xi32, #tpu.memory_space<hbm>> -> memref<1x83x128xi32, #tpu.memory_space<hbm>>
      %dma_start3A_32 = tpu.memref_squeeze %dma_start3A_31 : memref<1x83x128xi32, #tpu.memory_space<hbm>> -> memref<83x128xi32, #tpu.memory_space<hbm>>
      tpu.enqueue_dma source(%dma_start3A_32 : memref<83x128xi32, #tpu.memory_space<hbm>>) target(%arg13 : memref<83x128xi32, #tpu.memory_space<vmem>>) target_semaphore(%run_scoped3A_25 : memref<!tpu.dma_semaphore, #tpu.memory_space<semaphore_mem>>)
      %dma_wait3A = arith.constant 0 : i32
      %dma_wait3A_33 = arith.constant 0 : i32
      %dma_wait3A_34 = tpu.memref_slice %arg6[%add3A, %dma_wait3A, %dma_wait3A_33] : memref<32x83x128xi32, #tpu.memory_space<hbm>> -> memref<1x83x128xi32, #tpu.memory_space<hbm>>
      %dma_wait3A_35 = tpu.memref_squeeze %dma_wait3A_34 : memref<1x83x128xi32, #tpu.memory_space<hbm>> -> memref<83x128xi32, #tpu.memory_space<hbm>>
      %dma_wait3A_36 = arith.constant 0 : i32
      %dma_wait3A_37 = arith.constant 0 : i32
      %dma_wait3A_38 = tpu.memref_slice %arg6[%add3A, %dma_wait3A_36, %dma_wait3A_37] : memref<32x83x128xi32, #tpu.memory_space<hbm>> -> memref<1x83x128xi32, #tpu.memory_space<hbm>>
      %dma_wait3A_39 = tpu.memref_squeeze %dma_wait3A_38 : memref<1x83x128xi32, #tpu.memory_space<hbm>> -> memref<83x128xi32, #tpu.memory_space<hbm>>
      tpu.wait_dma2 semaphore(%run_scoped3A_25 : memref<!tpu.dma_semaphore, #tpu.memory_space<semaphore_mem>>) src(%dma_wait3A_39 : memref<83x128xi32, #tpu.memory_space<hbm>>) dst(%arg13 : memref<83x128xi32, #tpu.memory_space<vmem>>)
      tpu.yield
    }) : () -> ()
    "tpu.region"() ({
      %run_scoped3A_25 = tpu.sem_alloc : memref<!tpu.dma_semaphore, #tpu.memory_space<semaphore_mem>>
      %dma_start3A = arith.constant 0 : i32
      %dma_start3A_26 = arith.constant 0 : i32
      %dma_start3A_27 = tpu.memref_slice %arg7[%arg1, %dma_start3A, %dma_start3A_26] : memref<16x83x128xi32, #tpu.memory_space<hbm>> -> memref<1x83x128xi32, #tpu.memory_space<hbm>>
      %dma_start3A_28 = tpu.memref_squeeze %dma_start3A_27 : memref<1x83x128xi32, #tpu.memory_space<hbm>> -> memref<83x128xi32, #tpu.memory_space<hbm>>
      %dma_start3A_29 = arith.constant 0 : i32
      %dma_start3A_30 = arith.constant 0 : i32
      %dma_start3A_31 = tpu.memref_slice %arg7[%arg1, %dma_start3A_29, %dma_start3A_30] : memref<16x83x128xi32, #tpu.memory_space<hbm>> -> memref<1x83x128xi32, #tpu.memory_space<hbm>>
      %dma_start3A_32 = tpu.memref_squeeze %dma_start3A_31 : memref<1x83x128xi32, #tpu.memory_space<hbm>> -> memref<83x128xi32, #tpu.memory_space<hbm>>
      tpu.enqueue_dma source(%dma_start3A_32 : memref<83x128xi32, #tpu.memory_space<hbm>>) target(%arg14 : memref<83x128xi32, #tpu.memory_space<vmem>>) target_semaphore(%run_scoped3A_25 : memref<!tpu.dma_semaphore, #tpu.memory_space<semaphore_mem>>)
      %dma_wait3A = arith.constant 0 : i32
      %dma_wait3A_33 = arith.constant 0 : i32
      %dma_wait3A_34 = tpu.memref_slice %arg7[%arg1, %dma_wait3A, %dma_wait3A_33] : memref<16x83x128xi32, #tpu.memory_space<hbm>> -> memref<1x83x128xi32, #tpu.memory_space<hbm>>
      %dma_wait3A_35 = tpu.memref_squeeze %dma_wait3A_34 : memref<1x83x128xi32, #tpu.memory_space<hbm>> -> memref<83x128xi32, #tpu.memory_space<hbm>>
      %dma_wait3A_36 = arith.constant 0 : i32
      %dma_wait3A_37 = arith.constant 0 : i32
      %dma_wait3A_38 = tpu.memref_slice %arg7[%arg1, %dma_wait3A_36, %dma_wait3A_37] : memref<16x83x128xi32, #tpu.memory_space<hbm>> -> memref<1x83x128xi32, #tpu.memory_space<hbm>>
      %dma_wait3A_39 = tpu.memref_squeeze %dma_wait3A_38 : memref<1x83x128xi32, #tpu.memory_space<hbm>> -> memref<83x128xi32, #tpu.memory_space<hbm>>
      tpu.wait_dma2 semaphore(%run_scoped3A_25 : memref<!tpu.dma_semaphore, #tpu.memory_space<semaphore_mem>>) src(%dma_wait3A_39 : memref<83x128xi32, #tpu.memory_space<hbm>>) dst(%arg14 : memref<83x128xi32, #tpu.memory_space<vmem>>)
      tpu.yield
    }) : () -> ()
    %mul3A_1 = arith.constant 512 : i32
    %mul3A_2 = arith.muli %arg1, %mul3A_1 : i32
    "tpu.region"() ({
      %run_scoped3A_25 = tpu.sem_alloc : memref<!tpu.dma_semaphore, #tpu.memory_space<semaphore_mem>>
      %dma_start3A = arith.constant 0 : i32
      %dma_start3A_26 = tpu.memref_slice %arg16[%mul3A_2, %dma_start3A] : memref<8192x64xf32, #tpu.memory_space<vmem_shared>> -> memref<512x64xf32, #tpu.memory_space<vmem_shared>>
      tpu.enqueue_dma source(%arg8 : memref<512x64xf32, #tpu.memory_space<hbm>>) target(%dma_start3A_26 : memref<512x64xf32, #tpu.memory_space<vmem_shared>>) target_semaphore(%run_scoped3A_25 : memref<!tpu.dma_semaphore, #tpu.memory_space<semaphore_mem>>)
      %dma_wait3A = arith.constant 0 : i32
      %dma_wait3A_27 = tpu.memref_slice %arg16[%mul3A_2, %dma_wait3A] : memref<8192x64xf32, #tpu.memory_space<vmem_shared>> -> memref<512x64xf32, #tpu.memory_space<vmem_shared>>
      tpu.wait_dma2 semaphore(%run_scoped3A_25 : memref<!tpu.dma_semaphore, #tpu.memory_space<semaphore_mem>>) src(%arg8 : memref<512x64xf32, #tpu.memory_space<hbm>>) dst(%dma_wait3A_27 : memref<512x64xf32, #tpu.memory_space<vmem_shared>>)
      tpu.yield
    }) : () -> ()
    %scan3A = arith.constant 0 : i32
    %scan3A_3 = arith.constant 71 : i32
    %scan3A_4 = arith.addi %scan3A, %scan3A_3 : i32
    %scan3A_5 = arith.constant 1 : i32
    scf.for %scan3A_25 = %scan3A to %scan3A_4 step %scan3A_5  : i32 {
      %mul3A_26 = arith.constant 1 : i32
      %mul3A_27 = arith.muli %scan3A_25, %mul3A_26 : i32
      %add3A_28 = arith.constant 0 : i32
      %add3A_29 = arith.addi %add3A_28, %mul3A_27 : i32
      "tpu.region"() ({
        %run_scoped3A_30 = tpu.sem_alloc : memref<!tpu.dma_semaphore, #tpu.memory_space<semaphore_mem>>
        %dma_start3A = arith.constant 0 : i32
        %dma_start3A_31 = tpu.memref_slice %arg13[%add3A_29, %dma_start3A] : memref<83x128xi32, #tpu.memory_space<vmem>> -> memref<1x128xi32, #tpu.memory_space<vmem>>
        %dma_start3A_32 = tpu.memref_squeeze %dma_start3A_31 : memref<1x128xi32, #tpu.memory_space<vmem>> -> memref<128xi32, #tpu.memory_space<vmem>>
        %dma_start3A_33 = arith.constant 0 : i32
        %dma_start3A_34 = arith.constant 0 : i32
        %dma_start3A_35 = tpu.memref_slice %arg2[%dma_start3A_33, %dma_start3A_34] : memref<1003520x64xf32, #tpu.memory_space<hbm>> -> memref<1003520x64xf32, #tpu.memory_space<hbm>>
        tpu.enqueue_indirect_dma source(%dma_start3A_35 : memref<1003520x64xf32, #tpu.memory_space<hbm>>) target(%arg15 : memref<128x64xf32, #tpu.memory_space<vmem>>) offsets(%dma_start3A_32 : memref<128xi32, #tpu.memory_space<vmem>>) semaphore(%run_scoped3A_30 : memref<!tpu.dma_semaphore, #tpu.memory_space<semaphore_mem>>)
        %dma_wait3A = arith.constant 0 : i32
        %dma_wait3A_36 = tpu.memref_slice %arg13[%add3A_29, %dma_wait3A] : memref<83x128xi32, #tpu.memory_space<vmem>> -> memref<1x128xi32, #tpu.memory_space<vmem>>
        %dma_wait3A_37 = tpu.memref_squeeze %dma_wait3A_36 : memref<1x128xi32, #tpu.memory_space<vmem>> -> memref<128xi32, #tpu.memory_space<vmem>>
        %dma_wait3A_38 = arith.constant 0 : i32
        %dma_wait3A_39 = arith.constant 0 : i32
        %dma_wait3A_40 = tpu.memref_slice %arg2[%dma_wait3A_38, %dma_wait3A_39] : memref<1003520x64xf32, #tpu.memory_space<hbm>> -> memref<1003520x64xf32, #tpu.memory_space<hbm>>
        tpu.wait_indirect_dma semaphore(%run_scoped3A_30 : memref<!tpu.dma_semaphore, #tpu.memory_space<semaphore_mem>>) src(%dma_wait3A_40 : memref<1003520x64xf32, #tpu.memory_space<hbm>>) dst(%arg15 : memref<128x64xf32, #tpu.memory_space<vmem>>)
        tpu.yield
      }) : () -> ()
      "tpu.region"() ({
        %run_scoped3A_30 = tpu.sem_alloc : memref<!tpu.dma_semaphore, #tpu.memory_space<semaphore_mem>>
        %dma_start3A = arith.constant 0 : i32
        %dma_start3A_31 = tpu.memref_slice %arg14[%add3A_29, %dma_start3A] : memref<83x128xi32, #tpu.memory_space<vmem>> -> memref<1x128xi32, #tpu.memory_space<vmem>>
        %dma_start3A_32 = tpu.memref_squeeze %dma_start3A_31 : memref<1x128xi32, #tpu.memory_space<vmem>> -> memref<128xi32, #tpu.memory_space<vmem>>
        %dma_start3A_33 = arith.constant 0 : i32
        %dma_start3A_34 = arith.constant 0 : i32
        %dma_start3A_35 = tpu.memref_slice %arg16[%dma_start3A_33, %dma_start3A_34] : memref<8192x64xf32, #tpu.memory_space<vmem_shared>> -> memref<8192x64xf32, #tpu.memory_space<vmem_shared>>
        tpu.enqueue_indirect_dma source(%arg15 : memref<128x64xf32, #tpu.memory_space<vmem>>) target(%dma_start3A_35 : memref<8192x64xf32, #tpu.memory_space<vmem_shared>>) offsets(%dma_start3A_32 : memref<128xi32, #tpu.memory_space<vmem>>) semaphore(%run_scoped3A_30 : memref<!tpu.dma_semaphore, #tpu.memory_space<semaphore_mem>>) {add = true}
        %dma_wait3A = arith.constant 0 : i32
        %dma_wait3A_36 = tpu.memref_slice %arg14[%add3A_29, %dma_wait3A] : memref<83x128xi32, #tpu.memory_space<vmem>> -> memref<1x128xi32, #tpu.memory_space<vmem>>
        %dma_wait3A_37 = tpu.memref_squeeze %dma_wait3A_36 : memref<1x128xi32, #tpu.memory_space<vmem>> -> memref<128xi32, #tpu.memory_space<vmem>>
        %dma_wait3A_38 = arith.constant 0 : i32
        %dma_wait3A_39 = arith.constant 0 : i32
        %dma_wait3A_40 = tpu.memref_slice %arg16[%dma_wait3A_38, %dma_wait3A_39] : memref<8192x64xf32, #tpu.memory_space<vmem_shared>> -> memref<8192x64xf32, #tpu.memory_space<vmem_shared>>
        tpu.wait_indirect_dma semaphore(%run_scoped3A_30 : memref<!tpu.dma_semaphore, #tpu.memory_space<semaphore_mem>>) src(%arg15 : memref<128x64xf32, #tpu.memory_space<vmem>>) dst(%dma_wait3A_40 : memref<8192x64xf32, #tpu.memory_space<vmem_shared>>)
        tpu.yield
      }) : () -> ()
    }
    %scan3A_6 = arith.constant 71 : i32
    %run_scoped3A = arith.constant 71 : i32
    "tpu.region"() ({
      %run_scoped3A_25 = tpu.sem_alloc : memref<!tpu.dma_semaphore, #tpu.memory_space<semaphore_mem>>
      %dma_start3A = arith.constant 0 : i32
      %dma_start3A_26 = tpu.memref_slice %arg13[%run_scoped3A, %dma_start3A] : memref<83x128xi32, #tpu.memory_space<vmem>> -> memref<1x128xi32, #tpu.memory_space<vmem>>
      %dma_start3A_27 = tpu.memref_squeeze %dma_start3A_26 : memref<1x128xi32, #tpu.memory_space<vmem>> -> memref<128xi32, #tpu.memory_space<vmem>>
      %dma_start3A_28 = arith.constant 0 : i32
      %dma_start3A_29 = arith.constant 0 : i32
      %dma_start3A_30 = tpu.memref_slice %arg3[%dma_start3A_28, %dma_start3A_29] : memref<102400x64xf32, #tpu.memory_space<hbm>> -> memref<102400x64xf32, #tpu.memory_space<hbm>>
      tpu.enqueue_indirect_dma source(%dma_start3A_30 : memref<102400x64xf32, #tpu.memory_space<hbm>>) target(%arg15 : memref<128x64xf32, #tpu.memory_space<vmem>>) offsets(%dma_start3A_27 : memref<128xi32, #tpu.memory_space<vmem>>) semaphore(%run_scoped3A_25 : memref<!tpu.dma_semaphore, #tpu.memory_space<semaphore_mem>>)
      %dma_wait3A = arith.constant 0 : i32
      %dma_wait3A_31 = tpu.memref_slice %arg13[%run_scoped3A, %dma_wait3A] : memref<83x128xi32, #tpu.memory_space<vmem>> -> memref<1x128xi32, #tpu.memory_space<vmem>>
      %dma_wait3A_32 = tpu.memref_squeeze %dma_wait3A_31 : memref<1x128xi32, #tpu.memory_space<vmem>> -> memref<128xi32, #tpu.memory_space<vmem>>
      %dma_wait3A_33 = arith.constant 0 : i32
      %dma_wait3A_34 = arith.constant 0 : i32
      %dma_wait3A_35 = tpu.memref_slice %arg3[%dma_wait3A_33, %dma_wait3A_34] : memref<102400x64xf32, #tpu.memory_space<hbm>> -> memref<102400x64xf32, #tpu.memory_space<hbm>>
      tpu.wait_indirect_dma semaphore(%run_scoped3A_25 : memref<!tpu.dma_semaphore, #tpu.memory_space<semaphore_mem>>) src(%dma_wait3A_35 : memref<102400x64xf32, #tpu.memory_space<hbm>>) dst(%arg15 : memref<128x64xf32, #tpu.memory_space<vmem>>)
      tpu.yield
    }) : () -> ()
    %run_scoped3A_7 = arith.constant 71 : i32
    "tpu.region"() ({
      %run_scoped3A_25 = tpu.sem_alloc : memref<!tpu.dma_semaphore, #tpu.memory_space<semaphore_mem>>
      %dma_start3A = arith.constant 0 : i32
      %dma_start3A_26 = tpu.memref_slice %arg14[%run_scoped3A_7, %dma_start3A] : memref<83x128xi32, #tpu.memory_space<vmem>> -> memref<1x128xi32, #tpu.memory_space<vmem>>
      %dma_start3A_27 = tpu.memref_squeeze %dma_start3A_26 : memref<1x128xi32, #tpu.memory_space<vmem>> -> memref<128xi32, #tpu.memory_space<vmem>>
      %dma_start3A_28 = arith.constant 0 : i32
      %dma_start3A_29 = arith.constant 0 : i32
      %dma_start3A_30 = tpu.memref_slice %arg16[%dma_start3A_28, %dma_start3A_29] : memref<8192x64xf32, #tpu.memory_space<vmem_shared>> -> memref<8192x64xf32, #tpu.memory_space<vmem_shared>>
      tpu.enqueue_indirect_dma source(%arg15 : memref<128x64xf32, #tpu.memory_space<vmem>>) target(%dma_start3A_30 : memref<8192x64xf32, #tpu.memory_space<vmem_shared>>) offsets(%dma_start3A_27 : memref<128xi32, #tpu.memory_space<vmem>>) semaphore(%run_scoped3A_25 : memref<!tpu.dma_semaphore, #tpu.memory_space<semaphore_mem>>) {add = true}
      %dma_wait3A = arith.constant 0 : i32
      %dma_wait3A_31 = tpu.memref_slice %arg14[%run_scoped3A_7, %dma_wait3A] : memref<83x128xi32, #tpu.memory_space<vmem>> -> memref<1x128xi32, #tpu.memory_space<vmem>>
      %dma_wait3A_32 = tpu.memref_squeeze %dma_wait3A_31 : memref<1x128xi32, #tpu.memory_space<vmem>> -> memref<128xi32, #tpu.memory_space<vmem>>
      %dma_wait3A_33 = arith.constant 0 : i32
      %dma_wait3A_34 = arith.constant 0 : i32
      %dma_wait3A_35 = tpu.memref_slice %arg16[%dma_wait3A_33, %dma_wait3A_34] : memref<8192x64xf32, #tpu.memory_space<vmem_shared>> -> memref<8192x64xf32, #tpu.memory_space<vmem_shared>>
      tpu.wait_indirect_dma semaphore(%run_scoped3A_25 : memref<!tpu.dma_semaphore, #tpu.memory_space<semaphore_mem>>) src(%arg15 : memref<128x64xf32, #tpu.memory_space<vmem>>) dst(%dma_wait3A_35 : memref<8192x64xf32, #tpu.memory_space<vmem_shared>>)
      tpu.yield
    }) : () -> ()
    %run_scoped3A_8 = arith.constant 72 : i32
    "tpu.region"() ({
      %run_scoped3A_25 = tpu.sem_alloc : memref<!tpu.dma_semaphore, #tpu.memory_space<semaphore_mem>>
      %dma_start3A = arith.constant 0 : i32
      %dma_start3A_26 = tpu.memref_slice %arg13[%run_scoped3A_8, %dma_start3A] : memref<83x128xi32, #tpu.memory_space<vmem>> -> memref<1x128xi32, #tpu.memory_space<vmem>>
      %dma_start3A_27 = tpu.memref_squeeze %dma_start3A_26 : memref<1x128xi32, #tpu.memory_space<vmem>> -> memref<128xi32, #tpu.memory_space<vmem>>
      %dma_start3A_28 = arith.constant 0 : i32
      %dma_start3A_29 = arith.constant 0 : i32
      %dma_start3A_30 = tpu.memref_slice %arg4[%dma_start3A_28, %dma_start3A_29] : memref<4096x64xf32, #tpu.memory_space<hbm>> -> memref<4096x64xf32, #tpu.memory_space<hbm>>
      tpu.enqueue_indirect_dma source(%dma_start3A_30 : memref<4096x64xf32, #tpu.memory_space<hbm>>) target(%arg15 : memref<128x64xf32, #tpu.memory_space<vmem>>) offsets(%dma_start3A_27 : memref<128xi32, #tpu.memory_space<vmem>>) semaphore(%run_scoped3A_25 : memref<!tpu.dma_semaphore, #tpu.memory_space<semaphore_mem>>)
      %dma_wait3A = arith.constant 0 : i32
      %dma_wait3A_31 = tpu.memref_slice %arg13[%run_scoped3A_8, %dma_wait3A] : memref<83x128xi32, #tpu.memory_space<vmem>> -> memref<1x128xi32, #tpu.memory_space<vmem>>
      %dma_wait3A_32 = tpu.memref_squeeze %dma_wait3A_31 : memref<1x128xi32, #tpu.memory_space<vmem>> -> memref<128xi32, #tpu.memory_space<vmem>>
      %dma_wait3A_33 = arith.constant 0 : i32
      %dma_wait3A_34 = arith.constant 0 : i32
      %dma_wait3A_35 = tpu.memref_slice %arg4[%dma_wait3A_33, %dma_wait3A_34] : memref<4096x64xf32, #tpu.memory_space<hbm>> -> memref<4096x64xf32, #tpu.memory_space<hbm>>
      tpu.wait_indirect_dma semaphore(%run_scoped3A_25 : memref<!tpu.dma_semaphore, #tpu.memory_space<semaphore_mem>>) src(%dma_wait3A_35 : memref<4096x64xf32, #tpu.memory_space<hbm>>) dst(%arg15 : memref<128x64xf32, #tpu.memory_space<vmem>>)
      tpu.yield
    }) : () -> ()
    %run_scoped3A_9 = arith.constant 72 : i32
    "tpu.region"() ({
      %run_scoped3A_25 = tpu.sem_alloc : memref<!tpu.dma_semaphore, #tpu.memory_space<semaphore_mem>>
      %dma_start3A = arith.constant 0 : i32
      %dma_start3A_26 = tpu.memref_slice %arg14[%run_scoped3A_9, %dma_start3A] : memref<83x128xi32, #tpu.memory_space<vmem>> -> memref<1x128xi32, #tpu.memory_space<vmem>>
      %dma_start3A_27 = tpu.memref_squeeze %dma_start3A_26 : memref<1x128xi32, #tpu.memory_space<vmem>> -> memref<128xi32, #tpu.memory_space<vmem>>
      %dma_start3A_28 = arith.constant 0 : i32
      %dma_start3A_29 = arith.constant 0 : i32
      %dma_start3A_30 = tpu.memref_slice %arg16[%dma_start3A_28, %dma_start3A_29] : memref<8192x64xf32, #tpu.memory_space<vmem_shared>> -> memref<8192x64xf32, #tpu.memory_space<vmem_shared>>
      tpu.enqueue_indirect_dma source(%arg15 : memref<128x64xf32, #tpu.memory_space<vmem>>) target(%dma_start3A_30 : memref<8192x64xf32, #tpu.memory_space<vmem_shared>>) offsets(%dma_start3A_27 : memref<128xi32, #tpu.memory_space<vmem>>) semaphore(%run_scoped3A_25 : memref<!tpu.dma_semaphore, #tpu.memory_space<semaphore_mem>>) {add = true}
      %dma_wait3A = arith.constant 0 : i32
      %dma_wait3A_31 = tpu.memref_slice %arg14[%run_scoped3A_9, %dma_wait3A] : memref<83x128xi32, #tpu.memory_space<vmem>> -> memref<1x128xi32, #tpu.memory_space<vmem>>
      %dma_wait3A_32 = tpu.memref_squeeze %dma_wait3A_31 : memref<1x128xi32, #tpu.memory_space<vmem>> -> memref<128xi32, #tpu.memory_space<vmem>>
      %dma_wait3A_33 = arith.constant 0 : i32
      %dma_wait3A_34 = arith.constant 0 : i32
      %dma_wait3A_35 = tpu.memref_slice %arg16[%dma_wait3A_33, %dma_wait3A_34] : memref<8192x64xf32, #tpu.memory_space<vmem_shared>> -> memref<8192x64xf32, #tpu.memory_space<vmem_shared>>
      tpu.wait_indirect_dma semaphore(%run_scoped3A_25 : memref<!tpu.dma_semaphore, #tpu.memory_space<semaphore_mem>>) src(%arg15 : memref<128x64xf32, #tpu.memory_space<vmem>>) dst(%dma_wait3A_35 : memref<8192x64xf32, #tpu.memory_space<vmem_shared>>)
      tpu.yield
    }) : () -> ()
    %scan3A_10 = arith.constant 0 : i32
    %scan3A_11 = arith.constant 10 : i32
    %scan3A_12 = arith.addi %scan3A_10, %scan3A_11 : i32
    %scan3A_13 = arith.constant 1 : i32
    scf.for %scan3A_25 = %scan3A_10 to %scan3A_12 step %scan3A_13  : i32 {
      %mul3A_26 = arith.constant 1 : i32
      %mul3A_27 = arith.muli %scan3A_25, %mul3A_26 : i32
      %add3A_28 = arith.constant 73 : i32
      %add3A_29 = arith.addi %add3A_28, %mul3A_27 : i32
      "tpu.region"() ({
        %run_scoped3A_30 = tpu.sem_alloc : memref<!tpu.dma_semaphore, #tpu.memory_space<semaphore_mem>>
        %dma_start3A = arith.constant 0 : i32
        %dma_start3A_31 = tpu.memref_slice %arg13[%add3A_29, %dma_start3A] : memref<83x128xi32, #tpu.memory_space<vmem>> -> memref<1x128xi32, #tpu.memory_space<vmem>>
        %dma_start3A_32 = tpu.memref_squeeze %dma_start3A_31 : memref<1x128xi32, #tpu.memory_space<vmem>> -> memref<128xi32, #tpu.memory_space<vmem>>
        %dma_start3A_33 = arith.constant 0 : i32
        %dma_start3A_34 = arith.constant 0 : i32
        %dma_start3A_35 = tpu.memref_slice %arg5[%dma_start3A_33, %dma_start3A_34] : memref<4096x64xf32, #tpu.memory_space<hbm>> -> memref<4096x64xf32, #tpu.memory_space<hbm>>
        tpu.enqueue_indirect_dma source(%dma_start3A_35 : memref<4096x64xf32, #tpu.memory_space<hbm>>) target(%arg15 : memref<128x64xf32, #tpu.memory_space<vmem>>) offsets(%dma_start3A_32 : memref<128xi32, #tpu.memory_space<vmem>>) semaphore(%run_scoped3A_30 : memref<!tpu.dma_semaphore, #tpu.memory_space<semaphore_mem>>)
        %dma_wait3A = arith.constant 0 : i32
        %dma_wait3A_36 = tpu.memref_slice %arg13[%add3A_29, %dma_wait3A] : memref<83x128xi32, #tpu.memory_space<vmem>> -> memref<1x128xi32, #tpu.memory_space<vmem>>
        %dma_wait3A_37 = tpu.memref_squeeze %dma_wait3A_36 : memref<1x128xi32, #tpu.memory_space<vmem>> -> memref<128xi32, #tpu.memory_space<vmem>>
        %dma_wait3A_38 = arith.constant 0 : i32
        %dma_wait3A_39 = arith.constant 0 : i32
        %dma_wait3A_40 = tpu.memref_slice %arg5[%dma_wait3A_38, %dma_wait3A_39] : memref<4096x64xf32, #tpu.memory_space<hbm>> -> memref<4096x64xf32, #tpu.memory_space<hbm>>
        tpu.wait_indirect_dma semaphore(%run_scoped3A_30 : memref<!tpu.dma_semaphore, #tpu.memory_space<semaphore_mem>>) src(%dma_wait3A_40 : memref<4096x64xf32, #tpu.memory_space<hbm>>) dst(%arg15 : memref<128x64xf32, #tpu.memory_space<vmem>>)
        tpu.yield
      }) : () -> ()
      "tpu.region"() ({
        %run_scoped3A_30 = tpu.sem_alloc : memref<!tpu.dma_semaphore, #tpu.memory_space<semaphore_mem>>
        %dma_start3A = arith.constant 0 : i32
        %dma_start3A_31 = tpu.memref_slice %arg14[%add3A_29, %dma_start3A] : memref<83x128xi32, #tpu.memory_space<vmem>> -> memref<1x128xi32, #tpu.memory_space<vmem>>
        %dma_start3A_32 = tpu.memref_squeeze %dma_start3A_31 : memref<1x128xi32, #tpu.memory_space<vmem>> -> memref<128xi32, #tpu.memory_space<vmem>>
        %dma_start3A_33 = arith.constant 0 : i32
        %dma_start3A_34 = arith.constant 0 : i32
        %dma_start3A_35 = tpu.memref_slice %arg16[%dma_start3A_33, %dma_start3A_34] : memref<8192x64xf32, #tpu.memory_space<vmem_shared>> -> memref<8192x64xf32, #tpu.memory_space<vmem_shared>>
        tpu.enqueue_indirect_dma source(%arg15 : memref<128x64xf32, #tpu.memory_space<vmem>>) target(%dma_start3A_35 : memref<8192x64xf32, #tpu.memory_space<vmem_shared>>) offsets(%dma_start3A_32 : memref<128xi32, #tpu.memory_space<vmem>>) semaphore(%run_scoped3A_30 : memref<!tpu.dma_semaphore, #tpu.memory_space<semaphore_mem>>) {add = true}
        %dma_wait3A = arith.constant 0 : i32
        %dma_wait3A_36 = tpu.memref_slice %arg14[%add3A_29, %dma_wait3A] : memref<83x128xi32, #tpu.memory_space<vmem>> -> memref<1x128xi32, #tpu.memory_space<vmem>>
        %dma_wait3A_37 = tpu.memref_squeeze %dma_wait3A_36 : memref<1x128xi32, #tpu.memory_space<vmem>> -> memref<128xi32, #tpu.memory_space<vmem>>
        %dma_wait3A_38 = arith.constant 0 : i32
        %dma_wait3A_39 = arith.constant 0 : i32
        %dma_wait3A_40 = tpu.memref_slice %arg16[%dma_wait3A_38, %dma_wait3A_39] : memref<8192x64xf32, #tpu.memory_space<vmem_shared>> -> memref<8192x64xf32, #tpu.memory_space<vmem_shared>>
        tpu.wait_indirect_dma semaphore(%run_scoped3A_30 : memref<!tpu.dma_semaphore, #tpu.memory_space<semaphore_mem>>) src(%arg15 : memref<128x64xf32, #tpu.memory_space<vmem>>) dst(%dma_wait3A_40 : memref<8192x64xf32, #tpu.memory_space<vmem_shared>>)
        tpu.yield
      }) : () -> ()
    }
    %scan3A_14 = arith.constant 10 : i32
    %mul3A_15 = arith.constant 512 : i32
    %mul3A_16 = arith.muli %arg1, %mul3A_15 : i32
    %mul3A_17 = arith.constant 128 : i32
    %mul3A_18 = arith.muli %add3A, %mul3A_17 : i32
    "tpu.region"() ({
      %run_scoped3A_25 = tpu.sem_alloc : memref<!tpu.dma_semaphore, #tpu.memory_space<semaphore_mem>>
      %dma_start3A = arith.constant 0 : i32
      %dma_start3A_26 = tpu.memref_slice %arg9[%mul3A_18, %dma_start3A] : memref<4096x64xf32, #tpu.memory_space<hbm>> -> memref<128x64xf32, #tpu.memory_space<hbm>>
      %dma_start3A_27 = arith.constant 0 : i32
      %dma_start3A_28 = tpu.memref_slice %arg16[%mul3A_16, %dma_start3A_27] : memref<8192x64xf32, #tpu.memory_space<vmem_shared>> -> memref<128x64xf32, #tpu.memory_space<vmem_shared>>
      tpu.enqueue_dma source(%dma_start3A_28 : memref<128x64xf32, #tpu.memory_space<vmem_shared>>) target(%dma_start3A_26 : memref<128x64xf32, #tpu.memory_space<hbm>>) target_semaphore(%run_scoped3A_25 : memref<!tpu.dma_semaphore, #tpu.memory_space<semaphore_mem>>)
      %dma_wait3A = arith.constant 0 : i32
      %dma_wait3A_29 = tpu.memref_slice %arg9[%mul3A_18, %dma_wait3A] : memref<4096x64xf32, #tpu.memory_space<hbm>> -> memref<128x64xf32, #tpu.memory_space<hbm>>
      %dma_wait3A_30 = arith.constant 0 : i32
      %dma_wait3A_31 = tpu.memref_slice %arg16[%mul3A_16, %dma_wait3A_30] : memref<8192x64xf32, #tpu.memory_space<vmem_shared>> -> memref<128x64xf32, #tpu.memory_space<vmem_shared>>
      tpu.wait_dma2 semaphore(%run_scoped3A_25 : memref<!tpu.dma_semaphore, #tpu.memory_space<semaphore_mem>>) src(%dma_wait3A_31 : memref<128x64xf32, #tpu.memory_space<vmem_shared>>) dst(%dma_wait3A_29 : memref<128x64xf32, #tpu.memory_space<hbm>>)
      tpu.yield
    }) : () -> ()
    %add3A_19 = arith.constant 128 : i32
    %add3A_20 = arith.addi %mul3A_16, %add3A_19 : i32
    "tpu.region"() ({
      %run_scoped3A_25 = tpu.sem_alloc : memref<!tpu.dma_semaphore, #tpu.memory_space<semaphore_mem>>
      %dma_start3A = arith.constant 0 : i32
      %dma_start3A_26 = tpu.memref_slice %arg10[%mul3A_18, %dma_start3A] : memref<4096x64xf32, #tpu.memory_space<hbm>> -> memref<128x64xf32, #tpu.memory_space<hbm>>
      %dma_start3A_27 = arith.constant 0 : i32
      %dma_start3A_28 = tpu.memref_slice %arg16[%add3A_20, %dma_start3A_27] : memref<8192x64xf32, #tpu.memory_space<vmem_shared>> -> memref<128x64xf32, #tpu.memory_space<vmem_shared>>
      tpu.enqueue_dma source(%dma_start3A_28 : memref<128x64xf32, #tpu.memory_space<vmem_shared>>) target(%dma_start3A_26 : memref<128x64xf32, #tpu.memory_space<hbm>>) target_semaphore(%run_scoped3A_25 : memref<!tpu.dma_semaphore, #tpu.memory_space<semaphore_mem>>)
      %dma_wait3A = arith.constant 0 : i32
      %dma_wait3A_29 = tpu.memref_slice %arg10[%mul3A_18, %dma_wait3A] : memref<4096x64xf32, #tpu.memory_space<hbm>> -> memref<128x64xf32, #tpu.memory_space<hbm>>
      %dma_wait3A_30 = arith.constant 0 : i32
      %dma_wait3A_31 = tpu.memref_slice %arg16[%add3A_20, %dma_wait3A_30] : memref<8192x64xf32, #tpu.memory_space<vmem_shared>> -> memref<128x64xf32, #tpu.memory_space<vmem_shared>>
      tpu.wait_dma2 semaphore(%run_scoped3A_25 : memref<!tpu.dma_semaphore, #tpu.memory_space<semaphore_mem>>) src(%dma_wait3A_31 : memref<128x64xf32, #tpu.memory_space<vmem_shared>>) dst(%dma_wait3A_29 : memref<128x64xf32, #tpu.memory_space<hbm>>)
      tpu.yield
    }) : () -> ()
    %add3A_21 = arith.constant 256 : i32
    %add3A_22 = arith.addi %mul3A_16, %add3A_21 : i32
    "tpu.region"() ({
      %run_scoped3A_25 = tpu.sem_alloc : memref<!tpu.dma_semaphore, #tpu.memory_space<semaphore_mem>>
      %dma_start3A = arith.constant 0 : i32
      %dma_start3A_26 = tpu.memref_slice %arg11[%mul3A_18, %dma_start3A] : memref<4096x64xf32, #tpu.memory_space<hbm>> -> memref<128x64xf32, #tpu.memory_space<hbm>>
      %dma_start3A_27 = arith.constant 0 : i32
      %dma_start3A_28 = tpu.memref_slice %arg16[%add3A_22, %dma_start3A_27] : memref<8192x64xf32, #tpu.memory_space<vmem_shared>> -> memref<128x64xf32, #tpu.memory_space<vmem_shared>>
      tpu.enqueue_dma source(%dma_start3A_28 : memref<128x64xf32, #tpu.memory_space<vmem_shared>>) target(%dma_start3A_26 : memref<128x64xf32, #tpu.memory_space<hbm>>) target_semaphore(%run_scoped3A_25 : memref<!tpu.dma_semaphore, #tpu.memory_space<semaphore_mem>>)
      %dma_wait3A = arith.constant 0 : i32
      %dma_wait3A_29 = tpu.memref_slice %arg11[%mul3A_18, %dma_wait3A] : memref<4096x64xf32, #tpu.memory_space<hbm>> -> memref<128x64xf32, #tpu.memory_space<hbm>>
      %dma_wait3A_30 = arith.constant 0 : i32
      %dma_wait3A_31 = tpu.memref_slice %arg16[%add3A_22, %dma_wait3A_30] : memref<8192x64xf32, #tpu.memory_space<vmem_shared>> -> memref<128x64xf32, #tpu.memory_space<vmem_shared>>
      tpu.wait_dma2 semaphore(%run_scoped3A_25 : memref<!tpu.dma_semaphore, #tpu.memory_space<semaphore_mem>>) src(%dma_wait3A_31 : memref<128x64xf32, #tpu.memory_space<vmem_shared>>) dst(%dma_wait3A_29 : memref<128x64xf32, #tpu.memory_space<hbm>>)
      tpu.yield
    }) : () -> ()
    %add3A_23 = arith.constant 384 : i32
    %add3A_24 = arith.addi %mul3A_16, %add3A_23 : i32
    "tpu.region"() ({
      %run_scoped3A_25 = tpu.sem_alloc : memref<!tpu.dma_semaphore, #tpu.memory_space<semaphore_mem>>
      %dma_start3A = arith.constant 0 : i32
      %dma_start3A_26 = tpu.memref_slice %arg12[%mul3A_18, %dma_start3A] : memref<4096x64xf32, #tpu.memory_space<hbm>> -> memref<128x64xf32, #tpu.memory_space<hbm>>
      %dma_start3A_27 = arith.constant 0 : i32
      %dma_start3A_28 = tpu.memref_slice %arg16[%add3A_24, %dma_start3A_27] : memref<8192x64xf32, #tpu.memory_space<vmem_shared>> -> memref<128x64xf32, #tpu.memory_space<vmem_shared>>
      tpu.enqueue_dma source(%dma_start3A_28 : memref<128x64xf32, #tpu.memory_space<vmem_shared>>) target(%dma_start3A_26 : memref<128x64xf32, #tpu.memory_space<hbm>>) target_semaphore(%run_scoped3A_25 : memref<!tpu.dma_semaphore, #tpu.memory_space<semaphore_mem>>)
      %dma_wait3A = arith.constant 0 : i32
      %dma_wait3A_29 = tpu.memref_slice %arg12[%mul3A_18, %dma_wait3A] : memref<4096x64xf32, #tpu.memory_space<hbm>> -> memref<128x64xf32, #tpu.memory_space<hbm>>
      %dma_wait3A_30 = arith.constant 0 : i32
      %dma_wait3A_31 = tpu.memref_slice %arg16[%add3A_24, %dma_wait3A_30] : memref<8192x64xf32, #tpu.memory_space<vmem_shared>> -> memref<128x64xf32, #tpu.memory_space<vmem_shared>>
      tpu.wait_dma2 semaphore(%run_scoped3A_25 : memref<!tpu.dma_semaphore, #tpu.memory_space<semaphore_mem>>) src(%dma_wait3A_31 : memref<128x64xf32, #tpu.memory_space<vmem_shared>>) dst(%dma_wait3A_29 : memref<128x64xf32, #tpu.memory_space<hbm>>)
      tpu.yield
    }) : () -> ()
    return
  }
}

module attributes {stable_mosaic.version = 14 : i64} {
  func.func @body(%arg0: i32, %arg1: memref<64x4096xf32, #tpu.memory_space<vmem>>, %arg2: memref<2048x128xf32, #tpu.memory_space<vmem>>) attributes {dimension_semantics = [#tpu.dimension_semantics<arbitrary>], iteration_bounds = array<i64: 25>, scalar_prefetch = 0 : i64, scratch_operands = 0 : i64, tpu.core_type = #tpu.core_type<tc>, window_params = [{transform_indices = @transform_0, window_bounds = array<i64: 64, 4096>}, {transform_indices = @transform_1, window_bounds = array<i64: 2048, 128>}]} {
    %get3A = arith.constant 0 : index
    %get3A_0 = arith.constant 0 : index
    %get3A_1 = vector.load %arg1[%get3A, %get3A_0] : memref<64x4096xf32, #tpu.memory_space<vmem>>, vector<64x4096xf32>
    %transpose3A = tpu.transpose %get3A_1, [1, 0] : vector<64x4096xf32> -> vector<4096x64xf32>
    %slice3A = vector.extract_strided_slice %transpose3A {offsets = [0, 0], sizes = [2048, 64], strides = [1, 1]} : vector<4096x64xf32> to vector<2048x64xf32>
    %swap3A = arith.constant 0 : index
    %swap3A_2 = arith.constant 0 : index
    %swap3A_3 = vector.load %arg2[%swap3A, %swap3A_2] : memref<2048x128xf32, #tpu.memory_space<vmem>>, vector<2048x64xf32>
    tpu.vector_store %arg2[%swap3A, %swap3A_2], %slice3A {strides = array<i32>} : memref<2048x128xf32, #tpu.memory_space<vmem>>, vector<2048x64xf32>,
    %slice3A_4 = vector.extract_strided_slice %transpose3A {offsets = [2048, 0], sizes = [2048, 64], strides = [1, 1]} : vector<4096x64xf32> to vector<2048x64xf32>
    %swap3A_5 = arith.constant 0 : index
    %swap3A_6 = arith.constant 64 : index
    %swap3A_7 = vector.load %arg2[%swap3A_5, %swap3A_6] : memref<2048x128xf32, #tpu.memory_space<vmem>>, vector<2048x64xf32>
    tpu.vector_store %arg2[%swap3A_5, %swap3A_6], %slice3A_4 {strides = array<i32>} : memref<2048x128xf32, #tpu.memory_space<vmem>>, vector<2048x64xf32>,
    return
  }
  func.func @transform_0(%arg0: i32) -> (i32, i32) {
    %c0_i32 = arith.constant 0 : i32
    %c0_i32_0 = arith.constant 0 : i32
    return %c0_i32, %arg0 : i32, i32
  }
  func.func @transform_1(%arg0: i32) -> (i32, i32) {
    %c0_i32 = arith.constant 0 : i32
    %c0_i32_0 = arith.constant 0 : i32
    return %arg0, %c0_i32 : i32, i32
  }
}

module attributes {stable_mosaic.version = 14 : i64} {
  func.func @body(%arg0: i32, %arg1: memref<64x4096xf32, #tpu.memory_space<vmem>>, %arg2: memref<2048x128xf32, #tpu.memory_space<vmem>>) attributes {dimension_semantics = [#tpu.dimension_semantics<arbitrary>], iteration_bounds = array<i64: 245>, scalar_prefetch = 0 : i64, scratch_operands = 0 : i64, tpu.core_type = #tpu.core_type<tc>, window_params = [{transform_indices = @transform_0, window_bounds = array<i64: 64, 4096>}, {transform_indices = @transform_1, window_bounds = array<i64: 2048, 128>}]} {
    %get3A = arith.constant 0 : index
    %get3A_0 = arith.constant 0 : index
    %get3A_1 = vector.load %arg1[%get3A, %get3A_0] : memref<64x4096xf32, #tpu.memory_space<vmem>>, vector<64x4096xf32>
    %transpose3A = tpu.transpose %get3A_1, [1, 0] : vector<64x4096xf32> -> vector<4096x64xf32>
    %slice3A = vector.extract_strided_slice %transpose3A {offsets = [0, 0], sizes = [2048, 64], strides = [1, 1]} : vector<4096x64xf32> to vector<2048x64xf32>
    %swap3A = arith.constant 0 : index
    %swap3A_2 = arith.constant 0 : index
    %swap3A_3 = vector.load %arg2[%swap3A, %swap3A_2] : memref<2048x128xf32, #tpu.memory_space<vmem>>, vector<2048x64xf32>
    tpu.vector_store %arg2[%swap3A, %swap3A_2], %slice3A {strides = array<i32>} : memref<2048x128xf32, #tpu.memory_space<vmem>>, vector<2048x64xf32>,
    %slice3A_4 = vector.extract_strided_slice %transpose3A {offsets = [2048, 0], sizes = [2048, 64], strides = [1, 1]} : vector<4096x64xf32> to vector<2048x64xf32>
    %swap3A_5 = arith.constant 0 : index
    %swap3A_6 = arith.constant 64 : index
    %swap3A_7 = vector.load %arg2[%swap3A_5, %swap3A_6] : memref<2048x128xf32, #tpu.memory_space<vmem>>, vector<2048x64xf32>
    tpu.vector_store %arg2[%swap3A_5, %swap3A_6], %slice3A_4 {strides = array<i32>} : memref<2048x128xf32, #tpu.memory_space<vmem>>, vector<2048x64xf32>,
    return
  }
  func.func @transform_0(%arg0: i32) -> (i32, i32) {
    %c0_i32 = arith.constant 0 : i32
    %c0_i32_0 = arith.constant 0 : i32
    return %c0_i32, %arg0 : i32, i32
  }
  func.func @transform_1(%arg0: i32) -> (i32, i32) {
    %c0_i32 = arith.constant 0 : i32
    %c0_i32_0 = arith.constant 0 : i32
    return %arg0, %c0_i32 : i32, i32
  }
}

module attributes {stable_mosaic.version = 14 : i64} {
  func.func @body(%arg0: i32, %arg1: memref<64x4096xf32, #tpu.memory_space<vmem>>, %arg2: memref<2048x128xf32, #tpu.memory_space<vmem>>) attributes {dimension_semantics = [#tpu.dimension_semantics<arbitrary>], iteration_bounds = array<i64: 1>, scalar_prefetch = 0 : i64, scratch_operands = 0 : i64, tpu.core_type = #tpu.core_type<tc>, window_params = [{transform_indices = @transform_0, window_bounds = array<i64: 64, 4096>}, {transform_indices = @transform_1, window_bounds = array<i64: 2048, 128>}]} {
    %get3A = arith.constant 0 : index
    %get3A_0 = arith.constant 0 : index
    %get3A_1 = vector.load %arg1[%get3A, %get3A_0] : memref<64x4096xf32, #tpu.memory_space<vmem>>, vector<64x4096xf32>
    %transpose3A = tpu.transpose %get3A_1, [1, 0] : vector<64x4096xf32> -> vector<4096x64xf32>
    %slice3A = vector.extract_strided_slice %transpose3A {offsets = [0, 0], sizes = [2048, 64], strides = [1, 1]} : vector<4096x64xf32> to vector<2048x64xf32>
    %swap3A = arith.constant 0 : index
    %swap3A_2 = arith.constant 0 : index
    %swap3A_3 = vector.load %arg2[%swap3A, %swap3A_2] : memref<2048x128xf32, #tpu.memory_space<vmem>>, vector<2048x64xf32>
    tpu.vector_store %arg2[%swap3A, %swap3A_2], %slice3A {strides = array<i32>} : memref<2048x128xf32, #tpu.memory_space<vmem>>, vector<2048x64xf32>,
    %slice3A_4 = vector.extract_strided_slice %transpose3A {offsets = [2048, 0], sizes = [2048, 64], strides = [1, 1]} : vector<4096x64xf32> to vector<2048x64xf32>
    %swap3A_5 = arith.constant 0 : index
    %swap3A_6 = arith.constant 64 : index
    %swap3A_7 = vector.load %arg2[%swap3A_5, %swap3A_6] : memref<2048x128xf32, #tpu.memory_space<vmem>>, vector<2048x64xf32>
    tpu.vector_store %arg2[%swap3A_5, %swap3A_6], %slice3A_4 {strides = array<i32>} : memref<2048x128xf32, #tpu.memory_space<vmem>>, vector<2048x64xf32>,
    return
  }
  func.func @transform_0(%arg0: i32) -> (i32, i32) {
    %c0_i32 = arith.constant 0 : i32
    %c0_i32_0 = arith.constant 0 : i32
    return %c0_i32, %arg0 : i32, i32
  }
  func.func @transform_1(%arg0: i32) -> (i32, i32) {
    %c0_i32 = arith.constant 0 : i32
    %c0_i32_0 = arith.constant 0 : i32
    return %arg0, %c0_i32 : i32, i32
  }
}

module attributes {stable_mosaic.version = 14 : i64} {
  func.func @body(%arg0: i32, %arg1: memref<64x4096xf32, #tpu.memory_space<vmem>>, %arg2: memref<2048x128xf32, #tpu.memory_space<vmem>>) attributes {dimension_semantics = [#tpu.dimension_semantics<arbitrary>], iteration_bounds = array<i64: 1>, scalar_prefetch = 0 : i64, scratch_operands = 0 : i64, tpu.core_type = #tpu.core_type<tc>, window_params = [{transform_indices = @transform_0, window_bounds = array<i64: 64, 4096>}, {transform_indices = @transform_1, window_bounds = array<i64: 2048, 128>}]} {
    %get3A = arith.constant 0 : index
    %get3A_0 = arith.constant 0 : index
    %get3A_1 = vector.load %arg1[%get3A, %get3A_0] : memref<64x4096xf32, #tpu.memory_space<vmem>>, vector<64x4096xf32>
    %transpose3A = tpu.transpose %get3A_1, [1, 0] : vector<64x4096xf32> -> vector<4096x64xf32>
    %slice3A = vector.extract_strided_slice %transpose3A {offsets = [0, 0], sizes = [2048, 64], strides = [1, 1]} : vector<4096x64xf32> to vector<2048x64xf32>
    %swap3A = arith.constant 0 : index
    %swap3A_2 = arith.constant 0 : index
    %swap3A_3 = vector.load %arg2[%swap3A, %swap3A_2] : memref<2048x128xf32, #tpu.memory_space<vmem>>, vector<2048x64xf32>
    tpu.vector_store %arg2[%swap3A, %swap3A_2], %slice3A {strides = array<i32>} : memref<2048x128xf32, #tpu.memory_space<vmem>>, vector<2048x64xf32>,
    %slice3A_4 = vector.extract_strided_slice %transpose3A {offsets = [2048, 0], sizes = [2048, 64], strides = [1, 1]} : vector<4096x64xf32> to vector<2048x64xf32>
    %swap3A_5 = arith.constant 0 : index
    %swap3A_6 = arith.constant 64 : index
    %swap3A_7 = vector.load %arg2[%swap3A_5, %swap3A_6] : memref<2048x128xf32, #tpu.memory_space<vmem>>, vector<2048x64xf32>
    tpu.vector_store %arg2[%swap3A_5, %swap3A_6], %slice3A_4 {strides = array<i32>} : memref<2048x128xf32, #tpu.memory_space<vmem>>, vector<2048x64xf32>,
    return
  }
  func.func @transform_0(%arg0: i32) -> (i32, i32) {
    %c0_i32 = arith.constant 0 : i32
    %c0_i32_0 = arith.constant 0 : i32
    return %c0_i32, %arg0 : i32, i32
  }
  func.func @transform_1(%arg0: i32) -> (i32, i32) {
    %c0_i32 = arith.constant 0 : i32
    %c0_i32_0 = arith.constant 0 : i32
    return %arg0, %c0_i32 : i32, i32
  }
}

module attributes {stable_mosaic.version = 14 : i64} {
  func.func @body(%arg0: memref<4096x64xf32, #tpu.memory_space<vmem>>, %arg1: memref<4096x64xf32, #tpu.memory_space<vmem>>, %arg2: memref<4096x64xf32, #tpu.memory_space<vmem>>, %arg3: memref<4096x64xf32, #tpu.memory_space<vmem>>, %arg4: memref<4096x3xf32, #tpu.memory_space<vmem>>, %arg5: memref<128x3xf32, #tpu.memory_space<vmem>>, %arg6: memref<1x128xf32, #tpu.memory_space<vmem>>, %arg7: memref<64x128xf32, #tpu.memory_space<vmem>>, %arg8: memref<1x64xf32, #tpu.memory_space<vmem>>, %arg9: memref<64x64xf32, #tpu.memory_space<vmem>>, %arg10: memref<1x64xf32, #tpu.memory_space<vmem>>, %arg11: memref<128x64xf32, #tpu.memory_space<vmem>>, %arg12: memref<1x128xf32, #tpu.memory_space<vmem>>, %arg13: memref<64x128xf32, #tpu.memory_space<vmem>>, %arg14: memref<1x64xf32, #tpu.memory_space<vmem>>, %arg15: memref<64x64xf32, #tpu.memory_space<vmem>>, %arg16: memref<1x64xf32, #tpu.memory_space<vmem>>, %arg17: memref<4096x1xf32, #tpu.memory_space<vmem>>) attributes {dimension_semantics = [], scalar_prefetch = 0 : i64, scratch_operands = 0 : i64, tpu.core_type = #tpu.core_type<tc>} {
    %get3A = arith.constant 0 : index
    %get3A_0 = arith.constant 0 : index
    %get3A_1 = vector.load %arg0[%get3A, %get3A_0] : memref<4096x64xf32, #tpu.memory_space<vmem>>, vector<4096x64xf32>
    %mul3A = arith.constant 2.000000e-02 : f32
    %mul3A_2 = vector.broadcast %mul3A : f32 to vector<4096x64xf32>
    %mul3A_3 = arith.mulf %get3A_1, %mul3A_2 : vector<4096x64xf32>
    %get3A_4 = arith.constant 0 : index
    %get3A_5 = arith.constant 0 : index
    %get3A_6 = vector.load %arg1[%get3A_4, %get3A_5] : memref<4096x64xf32, #tpu.memory_space<vmem>>, vector<4096x64xf32>
    %mul3A_7 = arith.constant 5.000000e-02 : f32
    %mul3A_8 = vector.broadcast %mul3A_7 : f32 to vector<4096x64xf32>
    %mul3A_9 = arith.mulf %get3A_6, %mul3A_8 : vector<4096x64xf32>
    %add3A = arith.addf %mul3A_3, %mul3A_9 : vector<4096x64xf32>
    %get3A_10 = arith.constant 0 : index
    %get3A_11 = arith.constant 0 : index
    %get3A_12 = vector.load %arg11[%get3A_10, %get3A_11] : memref<128x64xf32, #tpu.memory_space<vmem>>, vector<128x64xf32>
    %dot_general3A = arith.constant dense<0.000000e+00> : vector<4096x128xf32>
    %dot_general3A_13 = tpu.matmul %add3A, %get3A_12, %dot_general3A {dimension_numbers = #tpu.dot_dimension_numbers<[1], [1], [0], [0], [0, 0, 1, 0], [], []>, precision = #tpu.contract_precision<fp32>, transpose_lhs_hint = false} : vector<4096x64xf32>, vector<128x64xf32>, vector<4096x128xf32> -> vector<4096x128xf32>
    %get3A_14 = arith.constant 0 : index
    %get3A_15 = arith.constant 0 : index
    %get3A_16 = vector.load %arg12[%get3A_14, %get3A_15] : memref<1x128xf32, #tpu.memory_space<vmem>>, vector<1x128xf32>
    %add3A_17 = vector.broadcast %get3A_16 : vector<1x128xf32> to vector<4096x128xf32>
    %add3A_18 = arith.addf %dot_general3A_13, %add3A_17 : vector<4096x128xf32>
    %max3A = arith.constant 0.000000e+00 : f32
    %max3A_19 = vector.broadcast %max3A : f32 to vector<4096x128xf32>
    %max3A_20 = arith.maximumf %add3A_18, %max3A_19 : vector<4096x128xf32>
    %get3A_21 = arith.constant 0 : index
    %get3A_22 = arith.constant 0 : index
    %get3A_23 = vector.load %arg13[%get3A_21, %get3A_22] : memref<64x128xf32, #tpu.memory_space<vmem>>, vector<64x128xf32>
    %dot_general3A_24 = arith.constant dense<0.000000e+00> : vector<4096x64xf32>
    %dot_general3A_25 = tpu.matmul %max3A_20, %get3A_23, %dot_general3A_24 {dimension_numbers = #tpu.dot_dimension_numbers<[1], [1], [0], [0], [0, 0, 1, 0], [], []>, precision = #tpu.contract_precision<fp32>, transpose_lhs_hint = false} : vector<4096x128xf32>, vector<64x128xf32>, vector<4096x64xf32> -> vector<4096x64xf32>
    %get3A_26 = arith.constant 0 : index
    %get3A_27 = arith.constant 0 : index
    %get3A_28 = vector.load %arg14[%get3A_26, %get3A_27] : memref<1x64xf32, #tpu.memory_space<vmem>>, vector<1x64xf32>
    %add3A_29 = vector.broadcast %get3A_28 : vector<1x64xf32> to vector<4096x64xf32>
    %add3A_30 = arith.addf %dot_general3A_25, %add3A_29 : vector<4096x64xf32>
    %max3A_31 = arith.constant 0.000000e+00 : f32
    %max3A_32 = vector.broadcast %max3A_31 : f32 to vector<4096x64xf32>
    %max3A_33 = arith.maximumf %add3A_30, %max3A_32 : vector<4096x64xf32>
    %get3A_34 = arith.constant 0 : index
    %get3A_35 = arith.constant 0 : index
    %get3A_36 = vector.load %arg15[%get3A_34, %get3A_35] : memref<64x64xf32, #tpu.memory_space<vmem>>, vector<64x64xf32>
    %dot_general3A_37 = arith.constant dense<0.000000e+00> : vector<4096x64xf32>
    %dot_general3A_38 = tpu.matmul %max3A_33, %get3A_36, %dot_general3A_37 {dimension_numbers = #tpu.dot_dimension_numbers<[1], [1], [0], [0], [0, 0, 1, 0], [], []>, precision = #tpu.contract_precision<fp32>, transpose_lhs_hint = false} : vector<4096x64xf32>, vector<64x64xf32>, vector<4096x64xf32> -> vector<4096x64xf32>
    %get3A_39 = arith.constant 0 : index
    %get3A_40 = arith.constant 0 : index
    %get3A_41 = vector.load %arg16[%get3A_39, %get3A_40] : memref<1x64xf32, #tpu.memory_space<vmem>>, vector<1x64xf32>
    %add3A_42 = vector.broadcast %get3A_41 : vector<1x64xf32> to vector<4096x64xf32>
    %add3A_43 = arith.addf %dot_general3A_38, %add3A_42 : vector<4096x64xf32>
    %get3A_44 = arith.constant 0 : index
    %get3A_45 = arith.constant 0 : index
    %get3A_46 = vector.load %arg4[%get3A_44, %get3A_45] : memref<4096x3xf32, #tpu.memory_space<vmem>>, vector<4096x3xf32>
    %get3A_47 = arith.constant 0 : index
    %get3A_48 = arith.constant 0 : index
    %get3A_49 = vector.load %arg5[%get3A_47, %get3A_48] : memref<128x3xf32, #tpu.memory_space<vmem>>, vector<128x3xf32>
    %dot_general3A_50 = arith.constant dense<0.000000e+00> : vector<4096x128xf32>
    %dot_general3A_51 = tpu.matmul %get3A_46, %get3A_49, %dot_general3A_50 {dimension_numbers = #tpu.dot_dimension_numbers<[1], [1], [0], [0], [0, 0, 1, 0], [], []>, precision = #tpu.contract_precision<fp32>, transpose_lhs_hint = false} : vector<4096x3xf32>, vector<128x3xf32>, vector<4096x128xf32> -> vector<4096x128xf32>
    %get3A_52 = arith.constant 0 : index
    %get3A_53 = arith.constant 0 : index
    %get3A_54 = vector.load %arg6[%get3A_52, %get3A_53] : memref<1x128xf32, #tpu.memory_space<vmem>>, vector<1x128xf32>
    %add3A_55 = vector.broadcast %get3A_54 : vector<1x128xf32> to vector<4096x128xf32>
    %add3A_56 = arith.addf %dot_general3A_51, %add3A_55 : vector<4096x128xf32>
    %max3A_57 = arith.constant 0.000000e+00 : f32
    %max3A_58 = vector.broadcast %max3A_57 : f32 to vector<4096x128xf32>
    %max3A_59 = arith.maximumf %add3A_56, %max3A_58 : vector<4096x128xf32>
    %get3A_60 = arith.constant 0 : index
    %get3A_61 = arith.constant 0 : index
    %get3A_62 = vector.load %arg7[%get3A_60, %get3A_61] : memref<64x128xf32, #tpu.memory_space<vmem>>, vector<64x128xf32>
    %dot_general3A_63 = arith.constant dense<0.000000e+00> : vector<4096x64xf32>
    %dot_general3A_64 = tpu.matmul %max3A_59, %get3A_62, %dot_general3A_63 {dimension_numbers = #tpu.dot_dimension_numbers<[1], [1], [0], [0], [0, 0, 1, 0], [], []>, precision = #tpu.contract_precision<fp32>, transpose_lhs_hint = false} : vector<4096x128xf32>, vector<64x128xf32>, vector<4096x64xf32> -> vector<4096x64xf32>
    %get3A_65 = arith.constant 0 : index
    %get3A_66 = arith.constant 0 : index
    %get3A_67 = vector.load %arg8[%get3A_65, %get3A_66] : memref<1x64xf32, #tpu.memory_space<vmem>>, vector<1x64xf32>
    %add3A_68 = vector.broadcast %get3A_67 : vector<1x64xf32> to vector<4096x64xf32>
    %add3A_69 = arith.addf %dot_general3A_64, %add3A_68 : vector<4096x64xf32>
    %max3A_70 = arith.constant 0.000000e+00 : f32
    %max3A_71 = vector.broadcast %max3A_70 : f32 to vector<4096x64xf32>
    %max3A_72 = arith.maximumf %add3A_69, %max3A_71 : vector<4096x64xf32>
    %get3A_73 = arith.constant 0 : index
    %get3A_74 = arith.constant 0 : index
    %get3A_75 = vector.load %arg9[%get3A_73, %get3A_74] : memref<64x64xf32, #tpu.memory_space<vmem>>, vector<64x64xf32>
    %dot_general3A_76 = arith.constant dense<0.000000e+00> : vector<4096x64xf32>
    %dot_general3A_77 = tpu.matmul %max3A_72, %get3A_75, %dot_general3A_76 {dimension_numbers = #tpu.dot_dimension_numbers<[1], [1], [0], [0], [0, 0, 1, 0], [], []>, precision = #tpu.contract_precision<fp32>, transpose_lhs_hint = false} : vector<4096x64xf32>, vector<64x64xf32>, vector<4096x64xf32> -> vector<4096x64xf32>
    %get3A_78 = arith.constant 0 : index
    %get3A_79 = arith.constant 0 : index
    %get3A_80 = vector.load %arg10[%get3A_78, %get3A_79] : memref<1x64xf32, #tpu.memory_space<vmem>>, vector<1x64xf32>
    %add3A_81 = vector.broadcast %get3A_80 : vector<1x64xf32> to vector<4096x64xf32>
    %add3A_82 = arith.addf %dot_general3A_77, %add3A_81 : vector<4096x64xf32>
    %get3A_83 = arith.constant 0 : index
    %get3A_84 = arith.constant 0 : index
    %get3A_85 = vector.load %arg3[%get3A_83, %get3A_84] : memref<4096x64xf32, #tpu.memory_space<vmem>>, vector<4096x64xf32>
    %get3A_86 = arith.constant 0 : index
    %get3A_87 = arith.constant 0 : index
    %get3A_88 = vector.load %arg2[%get3A_86, %get3A_87] : memref<4096x64xf32, #tpu.memory_space<vmem>>, vector<4096x64xf32>
    %mul3A_89 = arith.constant 1.000000e-01 : f32
    %mul3A_90 = vector.broadcast %mul3A_89 : f32 to vector<4096x64xf32>
    %mul3A_91 = arith.mulf %get3A_88, %mul3A_90 : vector<4096x64xf32>
    %add3A_92 = arith.addf %get3A_85, %mul3A_91 : vector<4096x64xf32>
    %add3A_93 = arith.addf %add3A_92, %add3A_82 : vector<4096x64xf32>
    %mul3A_94 = arith.mulf %add3A_43, %add3A_93 : vector<4096x64xf32>
    %reduce_sum3A = arith.constant dense<0.000000e+00> : vector<4096xf32>
    %reduce_sum3A_95 = vector.multi_reduction <add>, %mul3A_94, %reduce_sum3A [1] : vector<4096x64xf32> to vector<4096xf32>
    %broadcast_in_dim3A = vector.shape_cast %reduce_sum3A_95 : vector<4096xf32> to vector<4096x1xf32>
    %swap3A = arith.constant 0 : index
    %swap3A_96 = arith.constant 0 : index
    %swap3A_97 = vector.load %arg17[%swap3A, %swap3A_96] : memref<4096x1xf32, #tpu.memory_space<vmem>>, vector<4096x1xf32>
    tpu.vector_store %arg17[%swap3A, %swap3A_96], %broadcast_in_dim3A {strides = array<i32>} : memref<4096x1xf32, #tpu.memory_space<vmem>>, vector<4096x1xf32>,
    return
  }
}

</mosaic_0001>

<sc_bundles>
// kernel: kernel.8.cloned.1.call-start
scs
__scs_entry_jumppad:
0x0: {  	(pc) =	sbr.rel $0x88, $3  }
0x1: {  	(tag) =	ssettag $0x0;
	lr =	simm.s32 $0x1  }
0x2: {  	[smem:$0x3F8A] =	sst lr;
	_ =	strace $0xD0000000  }
0x3: {  	_ = 	snop  }
0x4: {  	_ = 	snop  }
0x5: {  	_ = 	snop  }
0x6: {  	_ = 	snop  }
0x7: {  	_ = 	snop  }
__scs_overlays_trampoline_lowered:
0x8: {  	[smem:$0x3F99] =	sst s0  }
0x9: {  	[smem:$0x3F9A] =	sst s1  }
0xa: {  	[smem:$0x3F9B] =	sst s2  }
0xb: {  	[smem:$0x3F9C] =	sst s3  }
0xc: {  	[smem:$0x3F9D] =	sst s4  }
0xd: {  	[smem:$0x3F9E] =	sst s5  }
0xe: {  	[smem:$0x3F9F] =	sst s6  }
0xf: {  	[smem:$0x3FA0] =	sst s7  }
0x10: {  	[smem:$0x3FA1] =	sst s8  }
0x11: {  	[smem:$0x3FA2] =	sst s9;
	s0 =	simm.s32 @!p0 $0x0  }
0x12: {  	s1 =	sld [smem:$0x3F88];
	s0 =	simm.s32 @p0 $0x1  }
0x13: {  	[smem:$0x3FA3] =	sst s0;
	s0 =	simm.s32 @!p1 $0x0  }
0x14: {  	s2 =	sld [smem:$0x3F87];
	s0 =	simm.s32 @p1 $0x1  }
0x15: {  	[smem:$0x3FA4] =	sst s0;
	s0 =	simm.s32 @!p2 $0x0  }
0x16: {  	s3 =	sld [smem:$0x3FDB];
	s0 =	simm.s32 @p2 $0x1  }
0x17: {  	s4 =	simm.s32 $0x1BF5;
	[smem:$0x3FA6] =	sst s0  }
0x18: {  	s0 =	sld [smem:$0x3F89];
	_ =	swait.ge [sflag:s4], $0x0  }
0x19: {  	s7 =	sld [smem:$0x3F8A]  }
0x1a: {  	s8 =	sadd.s32 $0xFFFFE003, lr  }
0x1b: {  	s9 =	sadd.s32 $0xFFFFFEF7, lr;
	s5 =	simm.s32 $0xFFFFFFFF;
	p2 =	slt.u32 s8, $0xFFFFF086  }
0x1c: {  	p1 =	slt.u32 s9, $0xF7A;
	s5 =	simm.s32 @!p2 $0x0  }
0x1d: {  	s5 =	simm.s32 @p1 $0x1;
	p0 =	seq.s32 s7, s2  }
0x1e: {  	s7 =	smul.u32 @!p0 $0xF7A, s2;
	p2 =	seq.s32 @!p0 s5, $0x0  }
0x1f: {  	s9 =	smul.u32 $0xF7A, s1;
	s8 =	simm.s32 @!p0 $0x1BF5;
	p2 =	por !p2, p0  }
0x20: {  	[sflag:s8] =	ssyncset.s32 @!p0 $0xFFFFF086;
	s6 =	sadd.s32 @!p0 s3, s7;
	s7 =	simm.s32 @!p0 $0x108  }
0x21: {  	s3 =	sadd.s32 s3, s9;
	s6 =	sadd.s32 @!p0 $0x88, s6;
	s7 =	simm.s32 @p2 $0x1082  }
0x22: {  	[simem:s7], [sflag:s8] =	dma.local @!p0 [hbm:s6], $0xF7A  }
0x23: {  	s9 =	sor.u32 $0xD0000000, s2;
	s6 =	simm.s32 $0x108;
	_ =	swait.ge @!p0 [sflag:s8], $0x0  }
0x24: {  	s3 =	sadd.s32 $0x88, s3;
	s6 =	simm.s32 @!p1 $0x1082;
	[sflag:s4] =	ssyncset.s32 $0xFFFFF086  }
0x25: {  	[simem:s6], [sflag:s4] =	dma.local [hbm:s3], $0xF7A  }
0x26: {  	[smem:$0x3F8A] =	sst s1;
	(tag) =	ssettag s2;
	_ =	strace s9  }
0x27: {  	s1 =	sld [smem:$0x3F9A]  }
0x28: {  	s2 =	sld [smem:$0x3F9B]  }
0x29: {  	s4 =	sld [smem:$0x3F9D]  }
0x2a: {  	p0 =	seq.s32 s5, $0x0;
	s5 =	sld [smem:$0x3F9E]  }
0x2b: {  	s6 =	sld [smem:$0x3F9F]  }
0x2c: {  	s7 =	sld [smem:$0x3FA0]  }
0x2d: {  	s3 =	simm.s32 $0x108;
	s8 =	sld [smem:$0x3FA1]  }
0x2e: {  	s3 =	simm.s32 @!p0 $0x1082;
	s9 =	sld [smem:$0x3FA2]  }
0x2f: {  	lr =	sadd.s32 s0, s3;
	s0 =	sld [smem:$0x3F99]  }
0x30: {  	s3 =	sld [smem:$0x3F9C]  }
0x31: {  	[smem:$0x3FA5] =	sst s10  }
0x32: {  	s10 =	sld [smem:$0x3FA3];
	_ =	sdelay $0x3  }
0x33: {  	p0 =	seq.s32 s10, $0x1;
	s10 =	sld [smem:$0x3FA5];
	_ =	sdelay $0x3  }
0x34: {  	[smem:$0x3FA5] =	sst s10  }
0x35: {  	s10 =	sld [smem:$0x3FA4];
	_ =	sdelay $0x3  }
0x36: {  	p1 =	seq.s32 s10, $0x1;
	s10 =	sld [smem:$0x3FA5];
	_ =	sdelay $0x3  }
0x37: {  	[smem:$0x3FA5] =	sst s10  }
0x38: {  	s10 =	sld [smem:$0x3FA6]  }
0x39: {  	_ = 	snop;
	(pc) =	sbr.ind lr, $3  }
0x3a: {  	_ = 	snop  }
0x3b: {  	_ = 	snop  }
0x3c: {  	p2 =	seq.s32 s10, $0x1;
	s10 =	sld [smem:$0x3FA5]  }
0x3d: {  	_ =	shalt  }
0x3e: {  	_ =	shalt  }
0x3f: {  	_ =	shalt  }
0x40: {  	_ =	shalt  }
0x41: {  	_ =	shalt  }
0x42: {  	_ =	shalt  }
0x43: {  	_ =	shalt  }
0x44: {  	_ =	shalt  }
0x45: {  	_ =	shalt  }
0x46: {  	_ =	shalt  }
0x47: {  	_ =	shalt  }
0x48: {  	_ =	shalt  }
0x49: {  	_ =	shalt  }
0x4a: {  	_ =	shalt  }
0x4b: {  	_ =	shalt  }
0x4c: {  	_ =	shalt  }
0x4d: {  	_ =	shalt  }
0x4e: {  	_ =	shalt  }
0x4f: {  	_ =	shalt  }
0x50: {  	_ =	shalt  }
0x51: {  	_ =	shalt  }
0x52: {  	_ =	shalt  }
0x53: {  	_ =	shalt  }
0x54: {  	_ =	shalt  }
0x55: {  	_ =	shalt  }
0x56: {  	_ =	shalt  }
0x57: {  	_ =	shalt  }
0x58: {  	_ =	shalt  }
0x59: {  	_ =	shalt  }
0x5a: {  	_ =	shalt  }
0x5b: {  	_ =	shalt  }
0x5c: {  	_ =	shalt  }
0x5d: {  	_ =	shalt  }
0x5e: {  	_ =	shalt  }
0x5f: {  	_ =	shalt  }
0x60: {  	_ =	shalt  }
0x61: {  	_ =	shalt  }
0x62: {  	_ =	shalt  }
0x63: {  	_ =	shalt  }
0x64: {  	_ =	shalt  }
0x65: {  	_ =	shalt  }
0x66: {  	_ =	shalt  }
0x67: {  	_ =	shalt  }
0x68: {  	_ =	shalt  }
0x69: {  	_ =	shalt  }
0x6a: {  	_ =	shalt  }
0x6b: {  	_ =	shalt  }
0x6c: {  	_ =	shalt  }
0x6d: {  	_ =	shalt  }
0x6e: {  	_ =	shalt  }
0x6f: {  	_ =	shalt  }
0x70: {  	_ =	shalt  }
0x71: {  	_ =	shalt  }
0x72: {  	_ =	shalt  }
0x73: {  	_ =	shalt  }
0x74: {  	_ =	shalt  }
0x75: {  	_ =	shalt  }
0x76: {  	_ =	shalt  }
0x77: {  	_ =	shalt  }
0x78: {  	_ =	shalt  }
0x79: {  	_ =	shalt  }
0x7a: {  	_ =	shalt  }
0x7b: {  	_ =	shalt  }
0x7c: {  	_ =	shalt  }
0x7d: {  	_ =	shalt  }
0x7e: {  	_ =	shalt  }
0x7f: {  	_ =	shalt  }
0x80: {  	_ =	shalt  }
0x81: {  	_ =	shalt  }
0x82: {  	_ =	shalt  }
0x83: {  	_ =	shalt  }
0x84: {  	_ =	shalt  }
0x85: {  	_ =	shalt  }
0x86: {  	_ =	shalt  }
0x87: {  	_ =	shalt  }
.Lfunc_end0:
.L_simem_size_0:
called_computation_lowered:
.L_overlay_start_0:
0x88: {  	s2 =	sld [smem:$0x3FD9]  }
0x89: {  	s3 =	sld [smem:$0x3FFE];
	_ =	sdelay $0x1  }
0x8a: {  	s1 =	srdreg.scid  }
0x8b: {  	s0 =	sand.u32 $0x1, s1  }
0x8c: {  	s16 =	sshll.u32 s0, $0xA;
	s2 =	sadd.s32 s3, s2  }
0x8d: {  	s2 =	sadd.s32 s2, s16  }
0x8e: {  	[smem:$0x3FB1] =	sst s2  }
0x8f: {  	_ = 	snop  }
0x90: {  	(tm) =	ssettm $0x1  }
0x91: {  	s17 =	sld [smem:$0x3FFB];
	_ =	sdelay $0x3  }
0x92: {  	_ =	strace s17  }
0x93: {  	s2 =	sld [smem:$0x3FFC];
	_ =	sdelay $0x3  }
0x94: {  	_ =	strace s2  }
0x95: {  	s2 =	sld [smem:$0x3FFD];
	_ =	sdelay $0x3  }
0x96: {  	_ =	strace s2  }
0x97: {  	_ =	strace $0x8FFFFFFF  }
0x98: {  	s18 =	sld [smem:$0x3FDB];
	_ =	sdelay $0x1  }
0x99: {  	s19 =	simm.s32 $_scs_section_size  }
0x9a: {  	s4 =	simm.s32 $_size__tile_overlayer_lowered;
	s5 =	simm.s32 $_tile_overlayer_lowered  }
0x9b: {  	s22 =	simm.s32 $0x1BFF;
	s21 =	sshll.u32 s5, $0x1;
	s2 =	sadd.s32 s19, s18  }
0x9c: {  	s6 =	simm.s32 $0x0;
	s20 =	sshll.u32 s4, $0x1;
	s4 =	sadd.s32 s21, s2  }
0x9d: {  	[timem:s6], [sflag:s22] =	dma.local [hbm:s4], s20  }
0x9e: {  	_ =	swait.ge [sflag:s22], s20  }
0x9f: {  	s3 =	ssub.s32 $0x0, s20;
	[sflag:s22] =	ssyncset.done $0x0  }
0xa0: {  	[sflag:s22] =	ssyncadd.s32 s3;
	_ =	sdelay $0x1  }
0xa1: {  	s23 =	simm.s32 $0x1B8B  }
0xa2: {  	_ =	swait.ge [sflag:s23], $0x1  }
0xa3: {  	[sflag:s23] =	ssyncset.done $0x0  }
0xa4: {  	s25 =	simm.s32 $0x1B8E;
	s24 =	sld [smem:$0x3FFE];
	[sflag:s23] =	ssyncadd.s32 $0xFFFFFFFF  }
0xa5: {  	s26 =	simm.s32 $execute0_lowered;
	[smem:$0x3FD2] =	sst s25  }
0xa6: {  	s4 =	sshll.u32 s26, $0x1;
	_ =	strace $0x80000046;
	[dreg:$0x1] =	wrdreg $0xFFFFFFFF  }
0xa7: {  	s28 =	simm.s32 $_size_execute0_lowered;
	s2 =	sadd.s32 s2, s4;
	[dreg:$0x0] =	wrdreg $0x0  }
0xa8: {  	s4 =	sshll.u32 s28, $0x1;
	[dreg:$0x2] =	wrdreg s2  }
0xa9: {  	[dreg:$0x3] =	wrdreg s4  }
0xaa: {  	[dreg:$0x4] =	wrdreg $0xC0  }
0xab: {  	_ =	task [dreg:s6], $0x5FFFF  }
0xac: {  	[dreg:$0x1] =	wrdreg $0xFFFFFFFF  }
0xad: {  	[dreg:$0x0] =	wrdreg $0x60  }
0xae: {  	[dreg:$0x2] =	wrdreg s24  }
0xaf: {  	[dreg:$0x3] =	wrdreg $0x73000  }
0xb0: {  	[dreg:$0x4] =	wrdreg $0x9  }
0xb1: {  	_ =	task.clear_ibuf [dreg:s6], $0x5FFFF;
	_ =	strace $0x90000046  }
0xb2: {  	s29 =	simm.s32 $0x9;
	_ =	strace $0x80000048  }
0xb3: {  	_ =	swait.ge [sflag:s29], $0x1  }
0xb4: {  	[sflag:s29] =	ssyncadd.s32 $0xFFFFFFFF  }
0xb5: {  	_ =	strace $0x90000048  }
0xb6: {  	_ =	sfence  }
0xb7: {  	s30 =	sld [smem:$0x0];
	_ =	sdelay $0x2  }
0xb8: {  	s31 =	sshll.u32 s1, $0xD;
	s1 =	sshrl.u32 s1, $0x2  }
0xb9: {  	s3 =	sand.u32 $0x4000, s31;
	s1 =	sadd.s32 s1, s30  }
0xba: {  	s0 =	sor.u32 s3, s0;
	s1 =	sshll.u32 s1, $0x11  }
0xbb: {  	s0 =	sor.u32 s1, s0  }
0xbc: {  	s0 =	sadd.s32 $0x8F2B, s0  }
0xbd: {  	[sflag:s0] =	ssyncadd.remote.s32 $0x1  }
0xbe: {  	_ =	sfence.sel $0xFFFF  }
0xbf: {  	[dreg:$0x0] =	wrdreg $0xFFFFFFFF;
	(pc) =	sbr.abs _section_cstart, $3  }
0xc0: {  	[dreg:$0x1] =	wrdreg $0xFFFFFFFF  }
0xc1: {  	_ =	task.clear_ibuf [dreg:s6], $0x2FFFF;
	_ =	strace $0x9FFFFFFF  }
0xc2: {  	(tm) =	ssettm $0x7FFFFFFF  }
0xc3: {  	_ =	shalt  }
tec
execute0_lowered:
.L_overlay_start_1:
0x0: {  	(tag) =	ssettag $0x1  }
0x1: {  	s0 =	rddreg [dreg:$0x0]  }
0x2: {  	s2 =	rddreg [dreg:$0x1]  }
0x3: {  	s1 =	srdreg.scid;
	s18 =	stileid.u32;
	s3 =	simm.s32 $0x0  }
0x4: {  	s16 =	simm.s32 $0x1;
	s20 =	simm.s32 $0x80;
	s21 =	simm.s32 $0x5300  }
0x5: {  	s28 =	simm.s32 $0x2880;
	s29 =	simm.s32 $0x5200;
	s30 =	simm.s32 $0x2900  }
0x6: {  	s31 =	simm.s32 $0x5280;
	s1 =	sand.u32 $0x1, s1;
	[smem:$0x7FF] =	sst s3  }
0x7: {  	s4 =	sshll.u32 s18, $0x1;
	s5 =	sadd.s32 $0x7ABE00, s0;
	s6 =	sadd.s32 $0x886400, s0  }
0x8: {  	s10 =	smul.u32 $0x530, s18;
	s7 =	sadd.s32 $0x87E400, s0;
	s24 =	sshll.u32 s18, $0xF  }
0x9: {  	s26 =	sshll.u32 s18, $0x6;
	s9 =	sor.u32 s1, s4;
	_ =	strace $0x80000047  }
0xa: {  	s4 =	sadd.s32 $0x3E00, s0;
	s1 =	ssub.s32 $0x2, s1;
	s17 =	sadd.s32 s24, s2  }
0xb: {  	s18 =	sor.u32 $0x1C01, s26;
	s8 =	smul.u32 $0x530, s9;
	s10 =	sadd.s32 s10, s0  }
0xc: {  	s9 =	sshll.u32 s9, $0xA;
	s13 =	sshrl.u32 s1, $0x1;
	s22 =	sadd.s32 $0x2000, s17  }
0xd: {  	s24 =	sadd.s32 $0x4000, s17;
	s25 =	sadd.s32 $0x6000, s17;
	s19 =	sshrl.u32 s17, $0x3  }
0xe: {  	s10 =	sadd.s32 $0x88E400, s10;
	s1 =	ssub.s32 s1, s13;
	s23 =	sshrl.u32 s22, $0x3  }
0xf: {  	s24 =	sshrl.u32 s24, $0x3;
	s25 =	sshrl.u32 s25, $0x3;
	s11 =	sadd.s32 s8, s0  }
0x10: {  	s8 =	sadd.s32 $0x893800, s0;
	s0 =	sadd.s32 s9, s0;
	s9 =	sadd.s32 $0x873E00, s11  }
0x11: {  	s15 =	smax.u32 s1, $0x1;
	s11 =	sadd.s32 $0x8AC800, s0;
	s12 =	sadd.s32 $0x8A4800, s0  }
0x12: {  	s13 =	sadd.s32 $0x89C800, s0;
	s14 =	sadd.s32 $0x894800, s0;
	s0 =	simm.s32 $0x0  }
.LBB2_1:
0x13: {  	[tilespmem:s3], [sflag:$0x1] =	stream.linear.gather [hbm4b:s9+s3], $0x2980, $0x38;
	[tilespmem:$0xF300] =	vst v63  }
0x14: {  	_ =	swait.ge [sflag:s16], $0x2980  }
0x15: {  	[sflag:s16] =	ssyncset.done $0x0  }
0x16: {  	s1 =	simm.s32 $0x2980;
	[sflag:s16] =	ssyncadd.s32 $0xFFFFD680  }
0x17: {  	[tilespmem:s1], [sflag:$0x1] =	stream.linear.gather [hbm4b:s10+s3], $0x2980, $0x38;
	[tilespmem:$0xF300] =	vst v63  }
0x18: {  	_ =	swait.ge [sflag:s16], $0x2980  }
0x19: {  	[sflag:s16] =	ssyncset.done $0x0  }
0x1a: {  	[sflag:s16] =	ssyncadd.s32 $0xFFFFD680  }
0x1b: {  	[spmem:s19], [sflag:s18] =	dma.local [hbm:s8], $0x1000  }
0x1c: {  	_ =	swait.ge [sflag:s16], $0x1000  }
0x1d: {  	[sflag:s16] =	ssyncset.done $0x0  }
0x1e: {  	s22 =	simm.s32 $0x0;
	[sflag:s16] =	ssyncadd.s32 $0xFFFFF000  }
0x1f: {  	[tilespmem:s21], [sflag:$0x1] =	stream.indirect.gather [hbm4b:s4+s20], $0x40, s22, s20, $0xb8;
	[tilespmem:$0xF300] =	vst v63  }
0x20: {  	_ =	swait.ge [sflag:s16], $0x2000  }
0x21: {  	[sflag:s16] =	ssyncset.done $0x0  }
0x22: {  	s26 =	simm.s32 $0x2980;
	[sflag:s16] =	ssyncadd.s32 $0xFFFFE000  }
0x23: {  	[spmem:s2] =	stream.indirect.scatter.add.f32 [tilespmem:s21], [sflag:$0x1], $0x40, s26, s20, $0xb8;
	[tilespmem:$0xF300] =	vst v63  }
0x24: {  	_ =	swait.ge [sflag:s16], $0x2000  }
0x25: {  	s17 =	simm.s32 $0x400;
	s1 =	simm.s32 $0x200;
	[sflag:s16] =	ssyncset.done $0x0  }
.LBB2_2:
0x26: {  	s22 =	sshra.s32 s1, $0x2  }
0x27: {  	[sflag:s16] =	ssyncadd.s32 $0xFFFFE000;
	s1 =	smov.u32 s17;
	s26 =	sadd.s32 $0x200, s17  }
0x28: {  	[tilespmem:s21], [sflag:$0x1] =	stream.indirect.gather [hbm4b:s4+s20], $0x40, s22, s20, $0xb8;
	[tilespmem:$0xF300] =	vst v63  }
0x29: {  	p0 =	sne.s32 s17, $0x8C00;
	_ =	swait.ge [sflag:s16], $0x2000  }
.Ltmp0:
0x2a: {  	[sflag:s16] =	ssyncset.done $0x0;
	(pc) =	sbr.rel @p0 .LBB2_2-.Ltmp0, $4  }
0x2b: {  	s17 =	sadd.s32 $0x2980, s22;
	[sflag:s16] =	ssyncadd.s32 $0xFFFFE000  }
0x2c: {  	[spmem:s2] =	stream.indirect.scatter.add.f32 [tilespmem:s21], [sflag:$0x1], $0x40, s17, s20, $0xb8;
	[tilespmem:$0xF300] =	vst v63  }
0x2d: {  	_ =	swait.ge [sflag:s16], $0x2000  }
0x2e: {  	s17 =	smov.u32 s26;
	[sflag:s16] =	ssyncset.done $0x0  }
0x2f: {  	s1 =	sshra.s32 s1, $0x2;
	[sflag:s16] =	ssyncadd.s32 $0xFFFFE000  }
0x30: {  	[tilespmem:s21], [sflag:$0x1] =	stream.indirect.gather [hbm4b:s4+s20], $0x40, s1, s20, $0xb8;
	[tilespmem:$0xF300] =	vst v63  }
0x31: {  	_ =	swait.ge [sflag:s16], $0x2000  }
0x32: {  	[sflag:s16] =	ssyncset.done $0x0  }
0x33: {  	s1 =	sadd.s32 $0x2980, s1;
	[sflag:s16] =	ssyncadd.s32 $0xFFFFE000  }
0x34: {  	[spmem:s2] =	stream.indirect.scatter.add.f32 [tilespmem:s21], [sflag:$0x1], $0x40, s1, s20, $0xb8;
	[tilespmem:$0xF300] =	vst v63  }
0x35: {  	_ =	swait.ge [sflag:s16], $0x2000  }
0x36: {  	[sflag:s16] =	ssyncset.done $0x0  }
0x37: {  	s22 =	simm.s32 $0x2380;
	[sflag:s16] =	ssyncadd.s32 $0xFFFFE000  }
0x38: {  	[tilespmem:s21], [sflag:$0x1] =	stream.indirect.gather [hbm4b:s5+s20], $0x40, s22, s20, $0xb8;
	[tilespmem:$0xF300] =	vst v63  }
0x39: {  	_ =	swait.ge [sflag:s16], $0x2000  }
0x3a: {  	[sflag:s16] =	ssyncset.done $0x0  }
0x3b: {  	s26 =	simm.s32 $0x4D00;
	[sflag:s16] =	ssyncadd.s32 $0xFFFFE000  }
0x3c: {  	[spmem:s2] =	stream.indirect.scatter.add.f32 [tilespmem:s21], [sflag:$0x1], $0x40, s26, s20, $0xb8;
	[tilespmem:$0xF300] =	vst v63  }
0x3d: {  	_ =	swait.ge [sflag:s16], $0x2000  }
0x3e: {  	[sflag:s16] =	ssyncset.done $0x0  }
0x3f: {  	s17 =	simm.s32 $0x2400;
	[sflag:s16] =	ssyncadd.s32 $0xFFFFE000  }
0x40: {  	[tilespmem:s21], [sflag:$0x1] =	stream.indirect.gather [hbm4b:s6+s20], $0x40, s17, s20, $0xb8;
	[tilespmem:$0xF300] =	vst v63  }
0x41: {  	_ =	swait.ge [sflag:s16], $0x2000  }
0x42: {  	[sflag:s16] =	ssyncset.done $0x0  }
0x43: {  	s22 =	simm.s32 $0x4D80;
	[sflag:s16] =	ssyncadd.s32 $0xFFFFE000  }
0x44: {  	[spmem:s2] =	stream.indirect.scatter.add.f32 [tilespmem:s21], [sflag:$0x1], $0x40, s22, s20, $0xb8;
	[tilespmem:$0xF300] =	vst v63  }
0x45: {  	_ =	swait.ge [sflag:s16], $0x2000  }
0x46: {  	[sflag:s16] =	ssyncset.done $0x0  }
0x47: {  	s26 =	simm.s32 $0x2480;
	[sflag:s16] =	ssyncadd.s32 $0xFFFFE000  }
0x48: {  	[tilespmem:s21], [sflag:$0x1] =	stream.indirect.gather [hbm4b:s7+s20], $0x40, s26, s20, $0xb8;
	[tilespmem:$0xF300] =	vst v63  }
0x49: {  	_ =	swait.ge [sflag:s16], $0x2000  }
0x4a: {  	[sflag:s16] =	ssyncset.done $0x0  }
0x4b: {  	s17 =	simm.s32 $0x4E00;
	[sflag:s16] =	ssyncadd.s32 $0xFFFFE000  }
0x4c: {  	[spmem:s2] =	stream.indirect.scatter.add.f32 [tilespmem:s21], [sflag:$0x1], $0x40, s17, s20, $0xb8;
	[tilespmem:$0xF300] =	vst v63  }
0x4d: {  	_ =	swait.ge [sflag:s16], $0x2000  }
0x4e: {  	[sflag:s16] =	ssyncset.done $0x0  }
0x4f: {  	s22 =	simm.s32 $0x2500;
	[sflag:s16] =	ssyncadd.s32 $0xFFFFE000  }
0x50: {  	[tilespmem:s21], [sflag:$0x1] =	stream.indirect.gather [hbm4b:s7+s20], $0x40, s22, s20, $0xb8;
	[tilespmem:$0xF300] =	vst v63  }
0x51: {  	_ =	swait.ge [sflag:s16], $0x2000  }
0x52: {  	[sflag:s16] =	ssyncset.done $0x0  }
0x53: {  	s26 =	simm.s32 $0x4E80;
	[sflag:s16] =	ssyncadd.s32 $0xFFFFE000  }
0x54: {  	[spmem:s2] =	stream.indirect.scatter.add.f32 [tilespmem:s21], [sflag:$0x1], $0x40, s26, s20, $0xb8;
	[tilespmem:$0xF300] =	vst v63  }
0x55: {  	_ =	swait.ge [sflag:s16], $0x2000  }
0x56: {  	[sflag:s16] =	ssyncset.done $0x0  }
0x57: {  	s17 =	simm.s32 $0x2580;
	[sflag:s16] =	ssyncadd.s32 $0xFFFFE000  }
0x58: {  	[tilespmem:s21], [sflag:$0x1] =	stream.indirect.gather [hbm4b:s7+s20], $0x40, s17, s20, $0xb8;
	[tilespmem:$0xF300] =	vst v63  }
0x59: {  	_ =	swait.ge [sflag:s16], $0x2000  }
0x5a: {  	[sflag:s16] =	ssyncset.done $0x0  }
0x5b: {  	s22 =	simm.s32 $0x4F00;
	[sflag:s16] =	ssyncadd.s32 $0xFFFFE000  }
0x5c: {  	[spmem:s2] =	stream.indirect.scatter.add.f32 [tilespmem:s21], [sflag:$0x1], $0x40, s22, s20, $0xb8;
	[tilespmem:$0xF300] =	vst v63  }
0x5d: {  	_ =	swait.ge [sflag:s16], $0x2000  }
0x5e: {  	[sflag:s16] =	ssyncset.done $0x0  }
0x5f: {  	s26 =	simm.s32 $0x2600;
	[sflag:s16] =	ssyncadd.s32 $0xFFFFE000  }
0x60: {  	[tilespmem:s21], [sflag:$0x1] =	stream.indirect.gather [hbm4b:s7+s20], $0x40, s26, s20, $0xb8;
	[tilespmem:$0xF300] =	vst v63  }
0x61: {  	_ =	swait.ge [sflag:s16], $0x2000  }
0x62: {  	[sflag:s16] =	ssyncset.done $0x0  }
0x63: {  	s17 =	simm.s32 $0x4F80;
	[sflag:s16] =	ssyncadd.s32 $0xFFFFE000  }
0x64: {  	[spmem:s2] =	stream.indirect.scatter.add.f32 [tilespmem:s21], [sflag:$0x1], $0x40, s17, s20, $0xb8;
	[tilespmem:$0xF300] =	vst v63  }
0x65: {  	_ =	swait.ge [sflag:s16], $0x2000  }
0x66: {  	[sflag:s16] =	ssyncset.done $0x0  }
0x67: {  	s22 =	simm.s32 $0x2680;
	[sflag:s16] =	ssyncadd.s32 $0xFFFFE000  }
0x68: {  	[tilespmem:s21], [sflag:$0x1] =	stream.indirect.gather [hbm4b:s7+s20], $0x40, s22, s20, $0xb8;
	[tilespmem:$0xF300] =	vst v63  }
0x69: {  	_ =	swait.ge [sflag:s16], $0x2000  }
0x6a: {  	[sflag:s16] =	ssyncset.done $0x0  }
0x6b: {  	s26 =	simm.s32 $0x5000;
	[sflag:s16] =	ssyncadd.s32 $0xFFFFE000  }
0x6c: {  	[spmem:s2] =	stream.indirect.scatter.add.f32 [tilespmem:s21], [sflag:$0x1], $0x40, s26, s20, $0xb8;
	[tilespmem:$0xF300] =	vst v63  }
0x6d: {  	_ =	swait.ge [sflag:s16], $0x2000  }
0x6e: {  	[sflag:s16] =	ssyncset.done $0x0  }
0x6f: {  	s17 =	simm.s32 $0x2700;
	[sflag:s16] =	ssyncadd.s32 $0xFFFFE000  }
0x70: {  	[tilespmem:s21], [sflag:$0x1] =	stream.indirect.gather [hbm4b:s7+s20], $0x40, s17, s20, $0xb8;
	[tilespmem:$0xF300] =	vst v63  }
0x71: {  	_ =	swait.ge [sflag:s16], $0x2000  }
0x72: {  	[sflag:s16] =	ssyncset.done $0x0  }
0x73: {  	s22 =	simm.s32 $0x5080;
	[sflag:s16] =	ssyncadd.s32 $0xFFFFE000  }
0x74: {  	[spmem:s2] =	stream.indirect.scatter.add.f32 [tilespmem:s21], [sflag:$0x1], $0x40, s22, s20, $0xb8;
	[tilespmem:$0xF300] =	vst v63  }
0x75: {  	_ =	swait.ge [sflag:s16], $0x2000  }
0x76: {  	[sflag:s16] =	ssyncset.done $0x0  }
0x77: {  	s26 =	simm.s32 $0x2780;
	[sflag:s16] =	ssyncadd.s32 $0xFFFFE000  }
0x78: {  	[tilespmem:s21], [sflag:$0x1] =	stream.indirect.gather [hbm4b:s7+s20], $0x40, s26, s20, $0xb8;
	[tilespmem:$0xF300] =	vst v63  }
0x79: {  	_ =	swait.ge [sflag:s16], $0x2000  }
0x7a: {  	[sflag:s16] =	ssyncset.done $0x0  }
0x7b: {  	s17 =	simm.s32 $0x5100;
	[sflag:s16] =	ssyncadd.s32 $0xFFFFE000  }
0x7c: {  	[spmem:s2] =	stream.indirect.scatter.add.f32 [tilespmem:s21], [sflag:$0x1], $0x40, s17, s20, $0xb8;
	[tilespmem:$0xF300] =	vst v63  }
0x7d: {  	_ =	swait.ge [sflag:s16], $0x2000  }
0x7e: {  	[sflag:s16] =	ssyncset.done $0x0  }
0x7f: {  	s22 =	simm.s32 $0x2800;
	[sflag:s16] =	ssyncadd.s32 $0xFFFFE000  }
0x80: {  	[tilespmem:s21], [sflag:$0x1] =	stream.indirect.gather [hbm4b:s7+s20], $0x40, s22, s20, $0xb8;
	[tilespmem:$0xF300] =	vst v63  }
0x81: {  	_ =	swait.ge [sflag:s16], $0x2000  }
0x82: {  	[sflag:s16] =	ssyncset.done $0x0  }
0x83: {  	s26 =	simm.s32 $0x5180;
	[sflag:s16] =	ssyncadd.s32 $0xFFFFE000  }
0x84: {  	[spmem:s2] =	stream.indirect.scatter.add.f32 [tilespmem:s21], [sflag:$0x1], $0x40, s26, s20, $0xb8;
	[tilespmem:$0xF300] =	vst v63  }
0x85: {  	_ =	swait.ge [sflag:s16], $0x2000  }
0x86: {  	[sflag:s16] =	ssyncset.done $0x0  }
0x87: {  	[sflag:s16] =	ssyncadd.s32 $0xFFFFE000  }
0x88: {  	[tilespmem:s21], [sflag:$0x1] =	stream.indirect.gather [hbm4b:s7+s20], $0x40, s28, s20, $0xb8;
	[tilespmem:$0xF300] =	vst v63  }
0x89: {  	_ =	swait.ge [sflag:s16], $0x2000  }
0x8a: {  	[sflag:s16] =	ssyncset.done $0x0  }
0x8b: {  	[sflag:s16] =	ssyncadd.s32 $0xFFFFE000  }
0x8c: {  	[spmem:s2] =	stream.indirect.scatter.add.f32 [tilespmem:s21], [sflag:$0x1], $0x40, s29, s20, $0xb8;
	[tilespmem:$0xF300] =	vst v63  }
0x8d: {  	_ =	swait.ge [sflag:s16], $0x2000  }
0x8e: {  	[sflag:s16] =	ssyncset.done $0x0  }
0x8f: {  	[sflag:s16] =	ssyncadd.s32 $0xFFFFE000  }
0x90: {  	[tilespmem:s21], [sflag:$0x1] =	stream.indirect.gather [hbm4b:s7+s20], $0x40, s30, s20, $0xb8;
	[tilespmem:$0xF300] =	vst v63  }
0x91: {  	_ =	swait.ge [sflag:s16], $0x2000  }
0x92: {  	[sflag:s16] =	ssyncset.done $0x0  }
0x93: {  	[sflag:s16] =	ssyncadd.s32 $0xFFFFE000  }
0x94: {  	[spmem:s2] =	stream.indirect.scatter.add.f32 [tilespmem:s21], [sflag:$0x1], $0x40, s31, s20, $0xb8;
	[tilespmem:$0xF300] =	vst v63  }
0x95: {  	_ =	swait.ge [sflag:s16], $0x2000  }
0x96: {  	[sflag:s16] =	ssyncset.done $0x0  }
0x97: {  	[sflag:s16] =	ssyncadd.s32 $0xFFFFE000  }
0x98: {  	[hbm:s11], [sflag:s18] =	dma.local [spmem:s19], $0x400  }
0x99: {  	_ =	swait.ge [sflag:s16], $0x400  }
0x9a: {  	[sflag:s16] =	ssyncset.done $0x0  }
0x9b: {  	[sflag:s16] =	ssyncadd.s32 $0xFFFFFC00  }
0x9c: {  	[hbm:s12], [sflag:s18] =	dma.local [spmem:s23], $0x400  }
0x9d: {  	_ =	swait.ge [sflag:s16], $0x400  }
0x9e: {  	[sflag:s16] =	ssyncset.done $0x0  }
0x9f: {  	[sflag:s16] =	ssyncadd.s32 $0xFFFFFC00  }
0xa0: {  	[hbm:s13], [sflag:s18] =	dma.local [spmem:s24], $0x400  }
0xa1: {  	s0 =	sadd.s32 $0x1, s0;
	_ =	swait.ge [sflag:s16], $0x400  }
0xa2: {  	p0 =	sne.s32 s0, s15;
	[sflag:s16] =	ssyncset.done $0x0  }
.Ltmp1:
0xa3: {  	[sflag:s16] =	ssyncadd.s32 $0xFFFFFC00;
	(pc) =	sbr.rel @p0 .LBB2_1-.Ltmp1, $4  }
0xa4: {  	[hbm:s14], [sflag:s18] =	dma.local [spmem:s25], $0x400  }
0xa5: {  	_ =	swait.ge [sflag:s16], $0x400  }
0xa6: {  	[sflag:s16] =	ssyncset.done $0x0  }
0xa7: {  	[sflag:s16] =	ssyncadd.s32 $0xFFFFFC00  }
0xa8: {  	_ =	sfence.sel $0x180000  }
0xa9: {  	[bflag:$0x0] =	sbarrier.arrive $0xFFFF  }
0xaa: {  	_ =	strace $0x90000047  }
0xab: {  	s0 =	stileid.u32;
	[bflag:$0x2] =	sbarrier.arrive $0xFFFF  }
0xac: {  	p0 =	sne.s32 s0, $0x0;
	s0 =	rddreg [dreg:$0x2]  }
0xad: {  	s0 =	sadd.s32 @!p0 $0x100000, s0  }
0xae: {  	[sflag:s0] =	ssyncadd.tile.s32 @!p0 $0x1;
	_ =	shalt  }
.Lfunc_end2:
_tile_overlayer_lowered:
.L_overlay_start_2:
0xaf: {  	(tag) =	ssettag $0x2  }
0xb0: {  	s0 =	rddreg [dreg:$0x0];
	s2 =	stileid.u32  }
0xb1: {  	s1 =	rddreg [dreg:$0x1];
	p0 =	sne.s32 s2, $0x0  }
0xb2: {  	s3 =	rddreg [dreg:$0x2];
	[bflag:$0x3] =	sbarrier.arrive $0xFFFF;
	s2 =	simm.s32 @!p0 $0x1C01  }
0xb3: {  	[timem:s3], [sflag:s2] =	dma.local @!p0 [hbm:s0], s1  }
0xb4: {  	s0 =	simm.s32 @!p0 $0x1  }
0xb5: {  	_ =	swait.ge @!p0 [sflag:s0], s1  }
0xb6: {  	s1 =	ssub.s32 @!p0 $0x0, s1;
	[sflag:s0] =	ssyncset.done @!p0 $0x0  }
0xb7: {  	[sflag:s0] =	ssyncadd.s32 @!p0 s1  }
0xb8: {  	[bflag:$0x3] =	sbarrier.arrive $0xFFFF  }
0xb9: {  	_ =	shalt  }

</sc_bundles>
